<compile_context>
chip_gen: v7x
topology: tpu7x:2x2x1
jax: 0.10.2.dev20260603
libtpu: 0.0.44.dev20260713+nightly
codegen_flags: <defaults>
</compile_context>

<pallas_src>
import functools

import jax
import jax.numpy as jnp
from jax import lax
from jax.experimental import pallas as pl
from jax.experimental.pallas import tpu as pltpu
from jax.experimental.pallas import tpu_sc as plsc

BATCH = 16384
EMB = 128
NC = 2
NS = 16
NW = NC * NS
B_PER_W = BATCH // NW


def _sc_gather(user_ids, item_ids, user_table, item_table, nb):
    bpw = nb // NW
    SUB = max(1, min(4, bpw // 64))
    NBUF = min(4, 2 * SUB)
    rows_sub = bpw // SUB
    mesh = plsc.VectorSubcoreMesh(core_axis_name="c", subcore_axis_name="s")

    @functools.partial(
        pl.kernel,
        mesh=mesh,
        out_type=(
            jax.ShapeDtypeStruct((nb, EMB), jnp.float32),
            jax.ShapeDtypeStruct((nb, EMB), jnp.float32),
        ),
        scratch_types=[
            pltpu.VMEM((bpw,), jnp.int32),
            pltpu.VMEM((bpw,), jnp.int32),
            [pltpu.VMEM((rows_sub, EMB), jnp.float32)] * NBUF,
            [pltpu.SemaphoreType.DMA] * NBUF,
            [pltpu.SemaphoreType.DMA] * NBUF,
        ],
    )
    def k(uidx_hbm, iidx_hbm, utab_hbm, itab_hbm, u_out, v_out,
          uidx_s, iidx_s, rows_bufs, sem_g, sem_o):
        wid = lax.axis_index("s") * NC + lax.axis_index("c")
        base = wid * bpw
        sl = pl.ds(base, bpw)
        pltpu.sync_copy(uidx_hbm.at[sl], uidx_s)
        pltpu.sync_copy(iidx_hbm.at[sl], iidx_s)

        def item(i):
            tab = utab_hbm if i < SUB else itab_hbm
            idx = uidx_s if i < SUB else iidx_s
            out = u_out if i < SUB else v_out
            off = (i % SUB) * rows_sub
            return (tab, idx.at[pl.ds(off, rows_sub)],
                    out.at[pl.ds(base + off, rows_sub)])

        n_items = 2 * SUB
        for i in range(NBUF):
            tab, idx_sl, _ = item(i)
            pltpu.async_copy(tab.at[idx_sl], rows_bufs[i], sem_g[i])
        for i in range(n_items):
            b = i % NBUF
            tab, idx_sl, out_sl = item(i)
            pltpu.make_async_copy(tab.at[idx_sl], rows_bufs[b],
                                  sem_g[b]).wait()
            pltpu.async_copy(rows_bufs[b], out_sl, sem_o[b])
            j = i + NBUF
            if j < n_items:
                pltpu.make_async_copy(rows_bufs[b], out_sl, sem_o[b]).wait()
                tab2, idx_sl2, _ = item(j)
                pltpu.async_copy(tab2.at[idx_sl2], rows_bufs[b], sem_g[b])
        for i in range(max(0, n_items - NBUF), n_items):
            b = i % NBUF
            _, _, out_sl = item(i)
            pltpu.make_async_copy(rows_bufs[b], out_sl, sem_o[b]).wait()

    return k(user_ids, item_ids, user_table, item_table)


def _mlp_body(u_ref, v_ref, w1u_ref, w1v_ref, b1_ref, w2_ref, b2_ref,
              w3_ref, b3_ref, o_ref):
    ub = u_ref[...].astype(jnp.bfloat16)
    vb = v_ref[...].astype(jnp.bfloat16)
    h = jnp.dot(ub, w1u_ref[...], preferred_element_type=jnp.float32)
    h = h + jnp.dot(vb, w1v_ref[...], preferred_element_type=jnp.float32)
    h = jnp.maximum(h + b1_ref[...], 0.0)
    h = jnp.dot(h.astype(jnp.bfloat16), w2_ref[...],
                preferred_element_type=jnp.float32)
    h = jnp.maximum(h + b2_ref[...], 0.0)
    o = jax.lax.dot_general(w3_ref[...], h.astype(jnp.bfloat16),
                            (((1,), (1,)), ((), ())),
                            preferred_element_type=jnp.float32)
    o_ref[...] = jax.nn.sigmoid(o + b3_ref[...])


def _mlp(u, v, W1, b1, W2, b2, W3, b3):
    nb = u.shape[0]
    BB = min(4096, nb)
    grid = (nb // BB,)
    w1u = W1[:EMB].astype(jnp.bfloat16)
    w1v = W1[EMB:].astype(jnp.bfloat16)
    W2 = W2.astype(jnp.bfloat16)
    b1r = b1.reshape(1, -1)
    b2r = b2.reshape(1, -1)
    w3r = W3.reshape(1, -1).astype(jnp.bfloat16)
    b3r = b3.reshape(1, 1)
    full = lambda i: (0, 0)
    return pl.pallas_call(
        _mlp_body,
        grid=grid,
        in_specs=[
            pl.BlockSpec((BB, EMB), lambda i: (i, 0)),
            pl.BlockSpec((BB, EMB), lambda i: (i, 0)),
            pl.BlockSpec(w1u.shape, full),
            pl.BlockSpec(w1v.shape, full),
            pl.BlockSpec(b1r.shape, full),
            pl.BlockSpec(W2.shape, full),
            pl.BlockSpec(b2r.shape, full),
            pl.BlockSpec(w3r.shape, full),
            pl.BlockSpec(b3r.shape, full),
        ],
        out_specs=pl.BlockSpec((1, BB), lambda i: (0, i)),
        out_shape=jax.ShapeDtypeStruct((1, nb), jnp.float32),
    )(u, v, w1u, w1v, b1r, W2, b2r, w3r, b3r)


NCHUNK = 2


def kernel(user_ids, item_ids, user_table, item_table, W1, b1, W2, b2, W3, b3):
    cs = BATCH // NCHUNK
    uvs = []
    for c in range(NCHUNK):
        sl = slice(c * cs, (c + 1) * cs)
        uvs.append(_sc_gather(user_ids[sl], item_ids[sl],
                              user_table, item_table, cs))
    outs = [_mlp(u, v, W1, b1, W2, b2, W3, b3) for (u, v) in uvs]
    row = outs[0] if NCHUNK == 1 else jnp.concatenate(outs, axis=1)
    return row.reshape(BATCH, 1)

# --- scband reference (transcript-rebuilt; emitter-appended) ---
"""Pipeline reference for scband-recommendation-model-65764539236828 (READ-ONLY COPY).

The authoritative reference and input builder live on the scoring server;
editing this copy changes nothing except your own understanding.
"""

import jax, jax.numpy as jnp
import numpy as np

NUM_USERS = 100000
NUM_ITEMS = 1000000
EMB = 128
BATCH = 16384

def setup_inputs(seed: int = 0) -> dict:
    key = jax.random.key(seed)
    ks = jax.random.split(key, 12)
    user_ids = jax.random.randint(ks[0], (BATCH,), 0, NUM_USERS, dtype=jnp.int64 if jax.config.jax_enable_x64 else jnp.int32)
    item_ids = jax.random.randint(ks[1], (BATCH,), 0, NUM_ITEMS, dtype=jnp.int64 if jax.config.jax_enable_x64 else jnp.int32)
    user_table = jax.random.normal(ks[2], (NUM_USERS, EMB), dtype=jnp.float32)
    item_table = jax.random.normal(ks[3], (NUM_ITEMS, EMB), dtype=jnp.float32)
    # MLP params: Linear(256,256) uses fan-in scaled init like torch default
    def lin(k, fan_in, fan_out):
        bound = 1.0 / np.sqrt(fan_in)
        kw, kb = jax.random.split(k)
        W = jax.random.uniform(kw, (fan_in, fan_out), minval=-bound, maxval=bound, dtype=jnp.float32)
        b = jax.random.uniform(kb, (fan_out,), minval=-bound, maxval=bound, dtype=jnp.float32)
        return W, b
    W1, b1 = lin(ks[4], 2 * EMB, 256)
    W2, b2 = lin(ks[5], 256, 128)
    W3, b3 = lin(ks[6], 128, 1)
    return {"user_ids": user_ids, "item_ids": item_ids,
            "user_table": user_table, "item_table": item_table,
            "W1": W1, "b1": b1, "W2": W2, "b2": b2, "W3": W3, "b3": b3}

def reference(user_ids, item_ids, user_table, item_table, W1, b1, W2, b2, W3, b3):
    # Embedding lookups (gather)
    u = jnp.take(user_table, user_ids, axis=0)   # [B, EMB]
    v = jnp.take(item_table, item_ids, axis=0)   # [B, EMB]
    x = jnp.concatenate([u, v], axis=1)          # [B, 2*EMB]
    h = jax.nn.relu(x @ W1 + b1)
    # Dropout(0.2) is identity in eval mode
    h = jax.nn.relu(h @ W2 + b2)
    out = jax.nn.sigmoid(h @ W3 + b3)            # [B, 1]
    return out

if __name__ == "__main__":
    import jax
    _d = setup_inputs()
    print(jax.jit(kernel)(*tuple(_d.values())))

</pallas_src>

<mosaic_0001>
#map = affine_map<(d0, d1) -> (0)>
#map1 = affine_map<(d0, d1) -> (0, 0)>
module attributes {stable_mosaic.version = 14 : i64} {
  func.func @k(%arg0: i32, %arg1: i32, %arg2: memref<8192xi32, #tpu.memory_space<hbm>>, %arg3: memref<8192xi32, #tpu.memory_space<hbm>>, %arg4: memref<100000x128xf32, #tpu.memory_space<hbm>>, %arg5: memref<1000000x128xf32, #tpu.memory_space<hbm>>, %arg6: memref<8192x128xf32, #tpu.memory_space<hbm>>, %arg7: memref<8192x128xf32, #tpu.memory_space<hbm>>, %arg8: memref<256xi32, #tpu.memory_space<vmem>>, %arg9: memref<256xi32, #tpu.memory_space<vmem>>, %arg10: memref<64x128xf32, #tpu.memory_space<vmem>>, %arg11: memref<64x128xf32, #tpu.memory_space<vmem>>, %arg12: memref<64x128xf32, #tpu.memory_space<vmem>>, %arg13: memref<64x128xf32, #tpu.memory_space<vmem>>, %arg14: memref<!tpu.dma_semaphore, #tpu.memory_space<semaphore_mem>>, %arg15: memref<!tpu.dma_semaphore, #tpu.memory_space<semaphore_mem>>, %arg16: memref<!tpu.dma_semaphore, #tpu.memory_space<semaphore_mem>>, %arg17: memref<!tpu.dma_semaphore, #tpu.memory_space<semaphore_mem>>, %arg18: memref<!tpu.dma_semaphore, #tpu.memory_space<semaphore_mem>>, %arg19: memref<!tpu.dma_semaphore, #tpu.memory_space<semaphore_mem>>, %arg20: memref<!tpu.dma_semaphore, #tpu.memory_space<semaphore_mem>>, %arg21: memref<!tpu.dma_semaphore, #tpu.memory_space<semaphore_mem>>) attributes {dimension_semantics = [#tpu.dimension_semantics<core_parallel>, #tpu.dimension_semantics<subcore_parallel>], iteration_bounds = array<i64: 2, 16>, scalar_prefetch = 0 : i64, scratch_operands = 14 : i64, tpu.core_type = #tpu.core_type<sc_vector_subcore>, window_params = [{transform_indices = #map}, {transform_indices = #map}, {transform_indices = #map1}, {transform_indices = #map1}, {transform_indices = #map1}, {transform_indices = #map1}]} {
    %mul3A = arith.constant 2 : i32
    %mul3A_0 = arith.muli %arg1, %mul3A : i32
    %add3A = arith.addi %mul3A_0, %arg0 : i32
    %mul3A_1 = arith.constant 256 : i32
    %mul3A_2 = arith.muli %add3A, %mul3A_1 : i32
    "tpu.region"() ({
      %run_scoped3A = tpu.sem_alloc : memref<!tpu.dma_semaphore, #tpu.memory_space<semaphore_mem>>
      %dma_start3A_185 = tpu.memref_slice %arg2[%mul3A_2] : memref<8192xi32, #tpu.memory_space<hbm>> -> memref<256xi32, #tpu.memory_space<hbm>>
      %dma_start3A_186 = tpu.memref_slice %arg2[%mul3A_2] : memref<8192xi32, #tpu.memory_space<hbm>> -> memref<256xi32, #tpu.memory_space<hbm>>
      tpu.enqueue_dma source(%dma_start3A_186 : memref<256xi32, #tpu.memory_space<hbm>>) target(%arg8 : memref<256xi32, #tpu.memory_space<vmem>>) target_semaphore(%run_scoped3A : memref<!tpu.dma_semaphore, #tpu.memory_space<semaphore_mem>>)
      %dma_wait3A_187 = tpu.memref_slice %arg2[%mul3A_2] : memref<8192xi32, #tpu.memory_space<hbm>> -> memref<256xi32, #tpu.memory_space<hbm>>
      %dma_wait3A_188 = tpu.memref_slice %arg2[%mul3A_2] : memref<8192xi32, #tpu.memory_space<hbm>> -> memref<256xi32, #tpu.memory_space<hbm>>
      tpu.wait_dma2 semaphore(%run_scoped3A : memref<!tpu.dma_semaphore, #tpu.memory_space<semaphore_mem>>) src(%dma_wait3A_188 : memref<256xi32, #tpu.memory_space<hbm>>) dst(%arg8 : memref<256xi32, #tpu.memory_space<vmem>>)
      tpu.yield
    }) : () -> ()
    "tpu.region"() ({
      %run_scoped3A = tpu.sem_alloc : memref<!tpu.dma_semaphore, #tpu.memory_space<semaphore_mem>>
      %dma_start3A_185 = tpu.memref_slice %arg3[%mul3A_2] : memref<8192xi32, #tpu.memory_space<hbm>> -> memref<256xi32, #tpu.memory_space<hbm>>
      %dma_start3A_186 = tpu.memref_slice %arg3[%mul3A_2] : memref<8192xi32, #tpu.memory_space<hbm>> -> memref<256xi32, #tpu.memory_space<hbm>>
      tpu.enqueue_dma source(%dma_start3A_186 : memref<256xi32, #tpu.memory_space<hbm>>) target(%arg9 : memref<256xi32, #tpu.memory_space<vmem>>) target_semaphore(%run_scoped3A : memref<!tpu.dma_semaphore, #tpu.memory_space<semaphore_mem>>)
      %dma_wait3A_187 = tpu.memref_slice %arg3[%mul3A_2] : memref<8192xi32, #tpu.memory_space<hbm>> -> memref<256xi32, #tpu.memory_space<hbm>>
      %dma_wait3A_188 = tpu.memref_slice %arg3[%mul3A_2] : memref<8192xi32, #tpu.memory_space<hbm>> -> memref<256xi32, #tpu.memory_space<hbm>>
      tpu.wait_dma2 semaphore(%run_scoped3A : memref<!tpu.dma_semaphore, #tpu.memory_space<semaphore_mem>>) src(%dma_wait3A_188 : memref<256xi32, #tpu.memory_space<hbm>>) dst(%arg9 : memref<256xi32, #tpu.memory_space<vmem>>)
      tpu.yield
    }) : () -> ()
    %add3A_3 = arith.constant 0 : i32
    %add3A_4 = arith.addi %mul3A_2, %add3A_3 : i32
    %dma_start3A = arith.constant 0 : i32
    %dma_start3A_5 = tpu.memref_slice %arg8[%dma_start3A] : memref<256xi32, #tpu.memory_space<vmem>> -> memref<64xi32, #tpu.memory_space<vmem>>
    %dma_start3A_6 = arith.constant 0 : i32
    %dma_start3A_7 = arith.constant 0 : i32
    %dma_start3A_8 = tpu.memref_slice %arg4[%dma_start3A_6, %dma_start3A_7] : memref<100000x128xf32, #tpu.memory_space<hbm>> -> memref<100000x128xf32, #tpu.memory_space<hbm>>
    tpu.enqueue_indirect_dma source(%dma_start3A_8 : memref<100000x128xf32, #tpu.memory_space<hbm>>) target(%arg10 : memref<64x128xf32, #tpu.memory_space<vmem>>) offsets(%dma_start3A_5 : memref<64xi32, #tpu.memory_space<vmem>>) semaphore(%arg14 : memref<!tpu.dma_semaphore, #tpu.memory_space<semaphore_mem>>)
    %add3A_9 = arith.constant 64 : i32
    %add3A_10 = arith.addi %mul3A_2, %add3A_9 : i32
    %dma_start3A_11 = arith.constant 64 : i32
    %dma_start3A_12 = tpu.memref_slice %arg8[%dma_start3A_11] : memref<256xi32, #tpu.memory_space<vmem>> -> memref<64xi32, #tpu.memory_space<vmem>>
    %dma_start3A_13 = arith.constant 0 : i32
    %dma_start3A_14 = arith.constant 0 : i32
    %dma_start3A_15 = tpu.memref_slice %arg4[%dma_start3A_13, %dma_start3A_14] : memref<100000x128xf32, #tpu.memory_space<hbm>> -> memref<100000x128xf32, #tpu.memory_space<hbm>>
    tpu.enqueue_indirect_dma source(%dma_start3A_15 : memref<100000x128xf32, #tpu.memory_space<hbm>>) target(%arg11 : memref<64x128xf32, #tpu.memory_space<vmem>>) offsets(%dma_start3A_12 : memref<64xi32, #tpu.memory_space<vmem>>) semaphore(%arg15 : memref<!tpu.dma_semaphore, #tpu.memory_space<semaphore_mem>>)
    %add3A_16 = arith.constant 128 : i32
    %add3A_17 = arith.addi %mul3A_2, %add3A_16 : i32
    %dma_start3A_18 = arith.constant 128 : i32
    %dma_start3A_19 = tpu.memref_slice %arg8[%dma_start3A_18] : memref<256xi32, #tpu.memory_space<vmem>> -> memref<64xi32, #tpu.memory_space<vmem>>
    %dma_start3A_20 = arith.constant 0 : i32
    %dma_start3A_21 = arith.constant 0 : i32
    %dma_start3A_22 = tpu.memref_slice %arg4[%dma_start3A_20, %dma_start3A_21] : memref<100000x128xf32, #tpu.memory_space<hbm>> -> memref<100000x128xf32, #tpu.memory_space<hbm>>
    tpu.enqueue_indirect_dma source(%dma_start3A_22 : memref<100000x128xf32, #tpu.memory_space<hbm>>) target(%arg12 : memref<64x128xf32, #tpu.memory_space<vmem>>) offsets(%dma_start3A_19 : memref<64xi32, #tpu.memory_space<vmem>>) semaphore(%arg16 : memref<!tpu.dma_semaphore, #tpu.memory_space<semaphore_mem>>)
    %add3A_23 = arith.constant 192 : i32
    %add3A_24 = arith.addi %mul3A_2, %add3A_23 : i32
    %dma_start3A_25 = arith.constant 192 : i32
    %dma_start3A_26 = tpu.memref_slice %arg8[%dma_start3A_25] : memref<256xi32, #tpu.memory_space<vmem>> -> memref<64xi32, #tpu.memory_space<vmem>>
    %dma_start3A_27 = arith.constant 0 : i32
    %dma_start3A_28 = arith.constant 0 : i32
    %dma_start3A_29 = tpu.memref_slice %arg4[%dma_start3A_27, %dma_start3A_28] : memref<100000x128xf32, #tpu.memory_space<hbm>> -> memref<100000x128xf32, #tpu.memory_space<hbm>>
    tpu.enqueue_indirect_dma source(%dma_start3A_29 : memref<100000x128xf32, #tpu.memory_space<hbm>>) target(%arg13 : memref<64x128xf32, #tpu.memory_space<vmem>>) offsets(%dma_start3A_26 : memref<64xi32, #tpu.memory_space<vmem>>) semaphore(%arg17 : memref<!tpu.dma_semaphore, #tpu.memory_space<semaphore_mem>>)
    %add3A_30 = arith.constant 0 : i32
    %add3A_31 = arith.addi %mul3A_2, %add3A_30 : i32
    %dma_wait3A = arith.constant 0 : i32
    %dma_wait3A_32 = tpu.memref_slice %arg8[%dma_wait3A] : memref<256xi32, #tpu.memory_space<vmem>> -> memref<64xi32, #tpu.memory_space<vmem>>
    %dma_wait3A_33 = arith.constant 0 : i32
    %dma_wait3A_34 = arith.constant 0 : i32
    %dma_wait3A_35 = tpu.memref_slice %arg4[%dma_wait3A_33, %dma_wait3A_34] : memref<100000x128xf32, #tpu.memory_space<hbm>> -> memref<100000x128xf32, #tpu.memory_space<hbm>>
    tpu.wait_indirect_dma semaphore(%arg14 : memref<!tpu.dma_semaphore, #tpu.memory_space<semaphore_mem>>) src(%dma_wait3A_35 : memref<100000x128xf32, #tpu.memory_space<hbm>>) dst(%arg10 : memref<64x128xf32, #tpu.memory_space<vmem>>)
    %dma_start3A_36 = arith.constant 0 : i32
    %dma_start3A_37 = tpu.memref_slice %arg6[%add3A_31, %dma_start3A_36] : memref<8192x128xf32, #tpu.memory_space<hbm>> -> memref<64x128xf32, #tpu.memory_space<hbm>>
    %dma_start3A_38 = arith.constant 0 : i32
    %dma_start3A_39 = tpu.memref_slice %arg6[%add3A_31, %dma_start3A_38] : memref<8192x128xf32, #tpu.memory_space<hbm>> -> memref<64x128xf32, #tpu.memory_space<hbm>>
    tpu.enqueue_dma source(%arg10 : memref<64x128xf32, #tpu.memory_space<vmem>>) target(%dma_start3A_39 : memref<64x128xf32, #tpu.memory_space<hbm>>) target_semaphore(%arg18 : memref<!tpu.dma_semaphore, #tpu.memory_space<semaphore_mem>>)
    %dma_wait3A_40 = arith.constant 0 : i32
    %dma_wait3A_41 = tpu.memref_slice %arg6[%add3A_31, %dma_wait3A_40] : memref<8192x128xf32, #tpu.memory_space<hbm>> -> memref<64x128xf32, #tpu.memory_space<hbm>>
    %dma_wait3A_42 = arith.constant 0 : i32
    %dma_wait3A_43 = tpu.memref_slice %arg6[%add3A_31, %dma_wait3A_42] : memref<8192x128xf32, #tpu.memory_space<hbm>> -> memref<64x128xf32, #tpu.memory_space<hbm>>
    tpu.wait_dma2 semaphore(%arg18 : memref<!tpu.dma_semaphore, #tpu.memory_space<semaphore_mem>>) src(%arg10 : memref<64x128xf32, #tpu.memory_space<vmem>>) dst(%dma_wait3A_43 : memref<64x128xf32, #tpu.memory_space<hbm>>)
    %add3A_44 = arith.constant 0 : i32
    %add3A_45 = arith.addi %mul3A_2, %add3A_44 : i32
    %dma_start3A_46 = arith.constant 0 : i32
    %dma_start3A_47 = tpu.memref_slice %arg9[%dma_start3A_46] : memref<256xi32, #tpu.memory_space<vmem>> -> memref<64xi32, #tpu.memory_space<vmem>>
    %dma_start3A_48 = arith.constant 0 : i32
    %dma_start3A_49 = arith.constant 0 : i32
    %dma_start3A_50 = tpu.memref_slice %arg5[%dma_start3A_48, %dma_start3A_49] : memref<1000000x128xf32, #tpu.memory_space<hbm>> -> memref<1000000x128xf32, #tpu.memory_space<hbm>>
    tpu.enqueue_indirect_dma source(%dma_start3A_50 : memref<1000000x128xf32, #tpu.memory_space<hbm>>) target(%arg10 : memref<64x128xf32, #tpu.memory_space<vmem>>) offsets(%dma_start3A_47 : memref<64xi32, #tpu.memory_space<vmem>>) semaphore(%arg14 : memref<!tpu.dma_semaphore, #tpu.memory_space<semaphore_mem>>)
    %add3A_51 = arith.constant 64 : i32
    %add3A_52 = arith.addi %mul3A_2, %add3A_51 : i32
    %dma_wait3A_53 = arith.constant 64 : i32
    %dma_wait3A_54 = tpu.memref_slice %arg8[%dma_wait3A_53] : memref<256xi32, #tpu.memory_space<vmem>> -> memref<64xi32, #tpu.memory_space<vmem>>
    %dma_wait3A_55 = arith.constant 0 : i32
    %dma_wait3A_56 = arith.constant 0 : i32
    %dma_wait3A_57 = tpu.memref_slice %arg4[%dma_wait3A_55, %dma_wait3A_56] : memref<100000x128xf32, #tpu.memory_space<hbm>> -> memref<100000x128xf32, #tpu.memory_space<hbm>>
    tpu.wait_indirect_dma semaphore(%arg15 : memref<!tpu.dma_semaphore, #tpu.memory_space<semaphore_mem>>) src(%dma_wait3A_57 : memref<100000x128xf32, #tpu.memory_space<hbm>>) dst(%arg11 : memref<64x128xf32, #tpu.memory_space<vmem>>)
    %dma_start3A_58 = arith.constant 0 : i32
    %dma_start3A_59 = tpu.memref_slice %arg6[%add3A_52, %dma_start3A_58] : memref<8192x128xf32, #tpu.memory_space<hbm>> -> memref<64x128xf32, #tpu.memory_space<hbm>>
    %dma_start3A_60 = arith.constant 0 : i32
    %dma_start3A_61 = tpu.memref_slice %arg6[%add3A_52, %dma_start3A_60] : memref<8192x128xf32, #tpu.memory_space<hbm>> -> memref<64x128xf32, #tpu.memory_space<hbm>>
    tpu.enqueue_dma source(%arg11 : memref<64x128xf32, #tpu.memory_space<vmem>>) target(%dma_start3A_61 : memref<64x128xf32, #tpu.memory_space<hbm>>) target_semaphore(%arg19 : memref<!tpu.dma_semaphore, #tpu.memory_space<semaphore_mem>>)
    %dma_wait3A_62 = arith.constant 0 : i32
    %dma_wait3A_63 = tpu.memref_slice %arg6[%add3A_52, %dma_wait3A_62] : memref<8192x128xf32, #tpu.memory_space<hbm>> -> memref<64x128xf32, #tpu.memory_space<hbm>>
    %dma_wait3A_64 = arith.constant 0 : i32
    %dma_wait3A_65 = tpu.memref_slice %arg6[%add3A_52, %dma_wait3A_64] : memref<8192x128xf32, #tpu.memory_space<hbm>> -> memref<64x128xf32, #tpu.memory_space<hbm>>
    tpu.wait_dma2 semaphore(%arg19 : memref<!tpu.dma_semaphore, #tpu.memory_space<semaphore_mem>>) src(%arg11 : memref<64x128xf32, #tpu.memory_space<vmem>>) dst(%dma_wait3A_65 : memref<64x128xf32, #tpu.memory_space<hbm>>)
    %add3A_66 = arith.constant 64 : i32
    %add3A_67 = arith.addi %mul3A_2, %add3A_66 : i32
    %dma_start3A_68 = arith.constant 64 : i32
    %dma_start3A_69 = tpu.memref_slice %arg9[%dma_start3A_68] : memref<256xi32, #tpu.memory_space<vmem>> -> memref<64xi32, #tpu.memory_space<vmem>>
    %dma_start3A_70 = arith.constant 0 : i32
    %dma_start3A_71 = arith.constant 0 : i32
    %dma_start3A_72 = tpu.memref_slice %arg5[%dma_start3A_70, %dma_start3A_71] : memref<1000000x128xf32, #tpu.memory_space<hbm>> -> memref<1000000x128xf32, #tpu.memory_space<hbm>>
    tpu.enqueue_indirect_dma source(%dma_start3A_72 : memref<1000000x128xf32, #tpu.memory_space<hbm>>) target(%arg11 : memref<64x128xf32, #tpu.memory_space<vmem>>) offsets(%dma_start3A_69 : memref<64xi32, #tpu.memory_space<vmem>>) semaphore(%arg15 : memref<!tpu.dma_semaphore, #tpu.memory_space<semaphore_mem>>)
    %add3A_73 = arith.constant 128 : i32
    %add3A_74 = arith.addi %mul3A_2, %add3A_73 : i32
    %dma_wait3A_75 = arith.constant 128 : i32
    %dma_wait3A_76 = tpu.memref_slice %arg8[%dma_wait3A_75] : memref<256xi32, #tpu.memory_space<vmem>> -> memref<64xi32, #tpu.memory_space<vmem>>
    %dma_wait3A_77 = arith.constant 0 : i32
    %dma_wait3A_78 = arith.constant 0 : i32
    %dma_wait3A_79 = tpu.memref_slice %arg4[%dma_wait3A_77, %dma_wait3A_78] : memref<100000x128xf32, #tpu.memory_space<hbm>> -> memref<100000x128xf32, #tpu.memory_space<hbm>>
    tpu.wait_indirect_dma semaphore(%arg16 : memref<!tpu.dma_semaphore, #tpu.memory_space<semaphore_mem>>) src(%dma_wait3A_79 : memref<100000x128xf32, #tpu.memory_space<hbm>>) dst(%arg12 : memref<64x128xf32, #tpu.memory_space<vmem>>)
    %dma_start3A_80 = arith.constant 0 : i32
    %dma_start3A_81 = tpu.memref_slice %arg6[%add3A_74, %dma_start3A_80] : memref<8192x128xf32, #tpu.memory_space<hbm>> -> memref<64x128xf32, #tpu.memory_space<hbm>>
    %dma_start3A_82 = arith.constant 0 : i32
    %dma_start3A_83 = tpu.memref_slice %arg6[%add3A_74, %dma_start3A_82] : memref<8192x128xf32, #tpu.memory_space<hbm>> -> memref<64x128xf32, #tpu.memory_space<hbm>>
    tpu.enqueue_dma source(%arg12 : memref<64x128xf32, #tpu.memory_space<vmem>>) target(%dma_start3A_83 : memref<64x128xf32, #tpu.memory_space<hbm>>) target_semaphore(%arg20 : memref<!tpu.dma_semaphore, #tpu.memory_space<semaphore_mem>>)
    %dma_wait3A_84 = arith.constant 0 : i32
    %dma_wait3A_85 = tpu.memref_slice %arg6[%add3A_74, %dma_wait3A_84] : memref<8192x128xf32, #tpu.memory_space<hbm>> -> memref<64x128xf32, #tpu.memory_space<hbm>>
    %dma_wait3A_86 = arith.constant 0 : i32
    %dma_wait3A_87 = tpu.memref_slice %arg6[%add3A_74, %dma_wait3A_86] : memref<8192x128xf32, #tpu.memory_space<hbm>> -> memref<64x128xf32, #tpu.memory_space<hbm>>
    tpu.wait_dma2 semaphore(%arg20 : memref<!tpu.dma_semaphore, #tpu.memory_space<semaphore_mem>>) src(%arg12 : memref<64x128xf32, #tpu.memory_space<vmem>>) dst(%dma_wait3A_87 : memref<64x128xf32, #tpu.memory_space<hbm>>)
    %add3A_88 = arith.constant 128 : i32
    %add3A_89 = arith.addi %mul3A_2, %add3A_88 : i32
    %dma_start3A_90 = arith.constant 128 : i32
    %dma_start3A_91 = tpu.memref_slice %arg9[%dma_start3A_90] : memref<256xi32, #tpu.memory_space<vmem>> -> memref<64xi32, #tpu.memory_space<vmem>>
    %dma_start3A_92 = arith.constant 0 : i32
    %dma_start3A_93 = arith.constant 0 : i32
    %dma_start3A_94 = tpu.memref_slice %arg5[%dma_start3A_92, %dma_start3A_93] : memref<1000000x128xf32, #tpu.memory_space<hbm>> -> memref<1000000x128xf32, #tpu.memory_space<hbm>>
    tpu.enqueue_indirect_dma source(%dma_start3A_94 : memref<1000000x128xf32, #tpu.memory_space<hbm>>) target(%arg12 : memref<64x128xf32, #tpu.memory_space<vmem>>) offsets(%dma_start3A_91 : memref<64xi32, #tpu.memory_space<vmem>>) semaphore(%arg16 : memref<!tpu.dma_semaphore, #tpu.memory_space<semaphore_mem>>)
    %add3A_95 = arith.constant 192 : i32
    %add3A_96 = arith.addi %mul3A_2, %add3A_95 : i32
    %dma_wait3A_97 = arith.constant 192 : i32
    %dma_wait3A_98 = tpu.memref_slice %arg8[%dma_wait3A_97] : memref<256xi32, #tpu.memory_space<vmem>> -> memref<64xi32, #tpu.memory_space<vmem>>
    %dma_wait3A_99 = arith.constant 0 : i32
    %dma_wait3A_100 = arith.constant 0 : i32
    %dma_wait3A_101 = tpu.memref_slice %arg4[%dma_wait3A_99, %dma_wait3A_100] : memref<100000x128xf32, #tpu.memory_space<hbm>> -> memref<100000x128xf32, #tpu.memory_space<hbm>>
    tpu.wait_indirect_dma semaphore(%arg17 : memref<!tpu.dma_semaphore, #tpu.memory_space<semaphore_mem>>) src(%dma_wait3A_101 : memref<100000x128xf32, #tpu.memory_space<hbm>>) dst(%arg13 : memref<64x128xf32, #tpu.memory_space<vmem>>)
    %dma_start3A_102 = arith.constant 0 : i32
    %dma_start3A_103 = tpu.memref_slice %arg6[%add3A_96, %dma_start3A_102] : memref<8192x128xf32, #tpu.memory_space<hbm>> -> memref<64x128xf32, #tpu.memory_space<hbm>>
    %dma_start3A_104 = arith.constant 0 : i32
    %dma_start3A_105 = tpu.memref_slice %arg6[%add3A_96, %dma_start3A_104] : memref<8192x128xf32, #tpu.memory_space<hbm>> -> memref<64x128xf32, #tpu.memory_space<hbm>>
    tpu.enqueue_dma source(%arg13 : memref<64x128xf32, #tpu.memory_space<vmem>>) target(%dma_start3A_105 : memref<64x128xf32, #tpu.memory_space<hbm>>) target_semaphore(%arg21 : memref<!tpu.dma_semaphore, #tpu.memory_space<semaphore_mem>>)
    %dma_wait3A_106 = arith.constant 0 : i32
    %dma_wait3A_107 = tpu.memref_slice %arg6[%add3A_96, %dma_wait3A_106] : memref<8192x128xf32, #tpu.memory_space<hbm>> -> memref<64x128xf32, #tpu.memory_space<hbm>>
    %dma_wait3A_108 = arith.constant 0 : i32
    %dma_wait3A_109 = tpu.memref_slice %arg6[%add3A_96, %dma_wait3A_108] : memref<8192x128xf32, #tpu.memory_space<hbm>> -> memref<64x128xf32, #tpu.memory_space<hbm>>
    tpu.wait_dma2 semaphore(%arg21 : memref<!tpu.dma_semaphore, #tpu.memory_space<semaphore_mem>>) src(%arg13 : memref<64x128xf32, #tpu.memory_space<vmem>>) dst(%dma_wait3A_109 : memref<64x128xf32, #tpu.memory_space<hbm>>)
    %add3A_110 = arith.constant 192 : i32
    %add3A_111 = arith.addi %mul3A_2, %add3A_110 : i32
    %dma_start3A_112 = arith.constant 192 : i32
    %dma_start3A_113 = tpu.memref_slice %arg9[%dma_start3A_112] : memref<256xi32, #tpu.memory_space<vmem>> -> memref<64xi32, #tpu.memory_space<vmem>>
    %dma_start3A_114 = arith.constant 0 : i32
    %dma_start3A_115 = arith.constant 0 : i32
    %dma_start3A_116 = tpu.memref_slice %arg5[%dma_start3A_114, %dma_start3A_115] : memref<1000000x128xf32, #tpu.memory_space<hbm>> -> memref<1000000x128xf32, #tpu.memory_space<hbm>>
    tpu.enqueue_indirect_dma source(%dma_start3A_116 : memref<1000000x128xf32, #tpu.memory_space<hbm>>) target(%arg13 : memref<64x128xf32, #tpu.memory_space<vmem>>) offsets(%dma_start3A_113 : memref<64xi32, #tpu.memory_space<vmem>>) semaphore(%arg17 : memref<!tpu.dma_semaphore, #tpu.memory_space<semaphore_mem>>)
    %add3A_117 = arith.constant 0 : i32
    %add3A_118 = arith.addi %mul3A_2, %add3A_117 : i32
    %dma_wait3A_119 = arith.constant 0 : i32
    %dma_wait3A_120 = tpu.memref_slice %arg9[%dma_wait3A_119] : memref<256xi32, #tpu.memory_space<vmem>> -> memref<64xi32, #tpu.memory_space<vmem>>
    %dma_wait3A_121 = arith.constant 0 : i32
    %dma_wait3A_122 = arith.constant 0 : i32
    %dma_wait3A_123 = tpu.memref_slice %arg5[%dma_wait3A_121, %dma_wait3A_122] : memref<1000000x128xf32, #tpu.memory_space<hbm>> -> memref<1000000x128xf32, #tpu.memory_space<hbm>>
    tpu.wait_indirect_dma semaphore(%arg14 : memref<!tpu.dma_semaphore, #tpu.memory_space<semaphore_mem>>) src(%dma_wait3A_123 : memref<1000000x128xf32, #tpu.memory_space<hbm>>) dst(%arg10 : memref<64x128xf32, #tpu.memory_space<vmem>>)
    %dma_start3A_124 = arith.constant 0 : i32
    %dma_start3A_125 = tpu.memref_slice %arg7[%add3A_118, %dma_start3A_124] : memref<8192x128xf32, #tpu.memory_space<hbm>> -> memref<64x128xf32, #tpu.memory_space<hbm>>
    %dma_start3A_126 = arith.constant 0 : i32
    %dma_start3A_127 = tpu.memref_slice %arg7[%add3A_118, %dma_start3A_126] : memref<8192x128xf32, #tpu.memory_space<hbm>> -> memref<64x128xf32, #tpu.memory_space<hbm>>
    tpu.enqueue_dma source(%arg10 : memref<64x128xf32, #tpu.memory_space<vmem>>) target(%dma_start3A_127 : memref<64x128xf32, #tpu.memory_space<hbm>>) target_semaphore(%arg18 : memref<!tpu.dma_semaphore, #tpu.memory_space<semaphore_mem>>)
    %add3A_128 = arith.constant 64 : i32
    %add3A_129 = arith.addi %mul3A_2, %add3A_128 : i32
    %dma_wait3A_130 = arith.constant 64 : i32
    %dma_wait3A_131 = tpu.memref_slice %arg9[%dma_wait3A_130] : memref<256xi32, #tpu.memory_space<vmem>> -> memref<64xi32, #tpu.memory_space<vmem>>
    %dma_wait3A_132 = arith.constant 0 : i32
    %dma_wait3A_133 = arith.constant 0 : i32
    %dma_wait3A_134 = tpu.memref_slice %arg5[%dma_wait3A_132, %dma_wait3A_133] : memref<1000000x128xf32, #tpu.memory_space<hbm>> -> memref<1000000x128xf32, #tpu.memory_space<hbm>>
    tpu.wait_indirect_dma semaphore(%arg15 : memref<!tpu.dma_semaphore, #tpu.memory_space<semaphore_mem>>) src(%dma_wait3A_134 : memref<1000000x128xf32, #tpu.memory_space<hbm>>) dst(%arg11 : memref<64x128xf32, #tpu.memory_space<vmem>>)
    %dma_start3A_135 = arith.constant 0 : i32
    %dma_start3A_136 = tpu.memref_slice %arg7[%add3A_129, %dma_start3A_135] : memref<8192x128xf32, #tpu.memory_space<hbm>> -> memref<64x128xf32, #tpu.memory_space<hbm>>
    %dma_start3A_137 = arith.constant 0 : i32
    %dma_start3A_138 = tpu.memref_slice %arg7[%add3A_129, %dma_start3A_137] : memref<8192x128xf32, #tpu.memory_space<hbm>> -> memref<64x128xf32, #tpu.memory_space<hbm>>
    tpu.enqueue_dma source(%arg11 : memref<64x128xf32, #tpu.memory_space<vmem>>) target(%dma_start3A_138 : memref<64x128xf32, #tpu.memory_space<hbm>>) target_semaphore(%arg19 : memref<!tpu.dma_semaphore, #tpu.memory_space<semaphore_mem>>)
    %add3A_139 = arith.constant 128 : i32
    %add3A_140 = arith.addi %mul3A_2, %add3A_139 : i32
    %dma_wait3A_141 = arith.constant 128 : i32
    %dma_wait3A_142 = tpu.memref_slice %arg9[%dma_wait3A_141] : memref<256xi32, #tpu.memory_space<vmem>> -> memref<64xi32, #tpu.memory_space<vmem>>
    %dma_wait3A_143 = arith.constant 0 : i32
    %dma_wait3A_144 = arith.constant 0 : i32
    %dma_wait3A_145 = tpu.memref_slice %arg5[%dma_wait3A_143, %dma_wait3A_144] : memref<1000000x128xf32, #tpu.memory_space<hbm>> -> memref<1000000x128xf32, #tpu.memory_space<hbm>>
    tpu.wait_indirect_dma semaphore(%arg16 : memref<!tpu.dma_semaphore, #tpu.memory_space<semaphore_mem>>) src(%dma_wait3A_145 : memref<1000000x128xf32, #tpu.memory_space<hbm>>) dst(%arg12 : memref<64x128xf32, #tpu.memory_space<vmem>>)
    %dma_start3A_146 = arith.constant 0 : i32
    %dma_start3A_147 = tpu.memref_slice %arg7[%add3A_140, %dma_start3A_146] : memref<8192x128xf32, #tpu.memory_space<hbm>> -> memref<64x128xf32, #tpu.memory_space<hbm>>
    %dma_start3A_148 = arith.constant 0 : i32
    %dma_start3A_149 = tpu.memref_slice %arg7[%add3A_140, %dma_start3A_148] : memref<8192x128xf32, #tpu.memory_space<hbm>> -> memref<64x128xf32, #tpu.memory_space<hbm>>
    tpu.enqueue_dma source(%arg12 : memref<64x128xf32, #tpu.memory_space<vmem>>) target(%dma_start3A_149 : memref<64x128xf32, #tpu.memory_space<hbm>>) target_semaphore(%arg20 : memref<!tpu.dma_semaphore, #tpu.memory_space<semaphore_mem>>)
    %add3A_150 = arith.constant 192 : i32
    %add3A_151 = arith.addi %mul3A_2, %add3A_150 : i32
    %dma_wait3A_152 = arith.constant 192 : i32
    %dma_wait3A_153 = tpu.memref_slice %arg9[%dma_wait3A_152] : memref<256xi32, #tpu.memory_space<vmem>> -> memref<64xi32, #tpu.memory_space<vmem>>
    %dma_wait3A_154 = arith.constant 0 : i32
    %dma_wait3A_155 = arith.constant 0 : i32
    %dma_wait3A_156 = tpu.memref_slice %arg5[%dma_wait3A_154, %dma_wait3A_155] : memref<1000000x128xf32, #tpu.memory_space<hbm>> -> memref<1000000x128xf32, #tpu.memory_space<hbm>>
    tpu.wait_indirect_dma semaphore(%arg17 : memref<!tpu.dma_semaphore, #tpu.memory_space<semaphore_mem>>) src(%dma_wait3A_156 : memref<1000000x128xf32, #tpu.memory_space<hbm>>) dst(%arg13 : memref<64x128xf32, #tpu.memory_space<vmem>>)
    %dma_start3A_157 = arith.constant 0 : i32
    %dma_start3A_158 = tpu.memref_slice %arg7[%add3A_151, %dma_start3A_157] : memref<8192x128xf32, #tpu.memory_space<hbm>> -> memref<64x128xf32, #tpu.memory_space<hbm>>
    %dma_start3A_159 = arith.constant 0 : i32
    %dma_start3A_160 = tpu.memref_slice %arg7[%add3A_151, %dma_start3A_159] : memref<8192x128xf32, #tpu.memory_space<hbm>> -> memref<64x128xf32, #tpu.memory_space<hbm>>
    tpu.enqueue_dma source(%arg13 : memref<64x128xf32, #tpu.memory_space<vmem>>) target(%dma_start3A_160 : memref<64x128xf32, #tpu.memory_space<hbm>>) target_semaphore(%arg21 : memref<!tpu.dma_semaphore, #tpu.memory_space<semaphore_mem>>)
    %add3A_161 = arith.constant 0 : i32
    %add3A_162 = arith.addi %mul3A_2, %add3A_161 : i32
    %dma_wait3A_163 = arith.constant 0 : i32
    %dma_wait3A_164 = tpu.memref_slice %arg7[%add3A_162, %dma_wait3A_163] : memref<8192x128xf32, #tpu.memory_space<hbm>> -> memref<64x128xf32, #tpu.memory_space<hbm>>
    %dma_wait3A_165 = arith.constant 0 : i32
    %dma_wait3A_166 = tpu.memref_slice %arg7[%add3A_162, %dma_wait3A_165] : memref<8192x128xf32, #tpu.memory_space<hbm>> -> memref<64x128xf32, #tpu.memory_space<hbm>>
    tpu.wait_dma2 semaphore(%arg18 : memref<!tpu.dma_semaphore, #tpu.memory_space<semaphore_mem>>) src(%arg10 : memref<64x128xf32, #tpu.memory_space<vmem>>) dst(%dma_wait3A_166 : memref<64x128xf32, #tpu.memory_space<hbm>>)
    %add3A_167 = arith.constant 64 : i32
    %add3A_168 = arith.addi %mul3A_2, %add3A_167 : i32
    %dma_wait3A_169 = arith.constant 0 : i32
    %dma_wait3A_170 = tpu.memref_slice %arg7[%add3A_168, %dma_wait3A_169] : memref<8192x128xf32, #tpu.memory_space<hbm>> -> memref<64x128xf32, #tpu.memory_space<hbm>>
    %dma_wait3A_171 = arith.constant 0 : i32
    %dma_wait3A_172 = tpu.memref_slice %arg7[%add3A_168, %dma_wait3A_171] : memref<8192x128xf32, #tpu.memory_space<hbm>> -> memref<64x128xf32, #tpu.memory_space<hbm>>
    tpu.wait_dma2 semaphore(%arg19 : memref<!tpu.dma_semaphore, #tpu.memory_space<semaphore_mem>>) src(%arg11 : memref<64x128xf32, #tpu.memory_space<vmem>>) dst(%dma_wait3A_172 : memref<64x128xf32, #tpu.memory_space<hbm>>)
    %add3A_173 = arith.constant 128 : i32
    %add3A_174 = arith.addi %mul3A_2, %add3A_173 : i32
    %dma_wait3A_175 = arith.constant 0 : i32
    %dma_wait3A_176 = tpu.memref_slice %arg7[%add3A_174, %dma_wait3A_175] : memref<8192x128xf32, #tpu.memory_space<hbm>> -> memref<64x128xf32, #tpu.memory_space<hbm>>
    %dma_wait3A_177 = arith.constant 0 : i32
    %dma_wait3A_178 = tpu.memref_slice %arg7[%add3A_174, %dma_wait3A_177] : memref<8192x128xf32, #tpu.memory_space<hbm>> -> memref<64x128xf32, #tpu.memory_space<hbm>>
    tpu.wait_dma2 semaphore(%arg20 : memref<!tpu.dma_semaphore, #tpu.memory_space<semaphore_mem>>) src(%arg12 : memref<64x128xf32, #tpu.memory_space<vmem>>) dst(%dma_wait3A_178 : memref<64x128xf32, #tpu.memory_space<hbm>>)
    %add3A_179 = arith.constant 192 : i32
    %add3A_180 = arith.addi %mul3A_2, %add3A_179 : i32
    %dma_wait3A_181 = arith.constant 0 : i32
    %dma_wait3A_182 = tpu.memref_slice %arg7[%add3A_180, %dma_wait3A_181] : memref<8192x128xf32, #tpu.memory_space<hbm>> -> memref<64x128xf32, #tpu.memory_space<hbm>>
    %dma_wait3A_183 = arith.constant 0 : i32
    %dma_wait3A_184 = tpu.memref_slice %arg7[%add3A_180, %dma_wait3A_183] : memref<8192x128xf32, #tpu.memory_space<hbm>> -> memref<64x128xf32, #tpu.memory_space<hbm>>
    tpu.wait_dma2 semaphore(%arg21 : memref<!tpu.dma_semaphore, #tpu.memory_space<semaphore_mem>>) src(%arg13 : memref<64x128xf32, #tpu.memory_space<vmem>>) dst(%dma_wait3A_184 : memref<64x128xf32, #tpu.memory_space<hbm>>)
    return
  }
}

#map = affine_map<(d0, d1) -> (0)>
#map1 = affine_map<(d0, d1) -> (0, 0)>
module attributes {stable_mosaic.version = 14 : i64} {
  func.func @k(%arg0: i32, %arg1: i32, %arg2: memref<8192xi32, #tpu.memory_space<hbm>>, %arg3: memref<8192xi32, #tpu.memory_space<hbm>>, %arg4: memref<100000x128xf32, #tpu.memory_space<hbm>>, %arg5: memref<1000000x128xf32, #tpu.memory_space<hbm>>, %arg6: memref<8192x128xf32, #tpu.memory_space<hbm>>, %arg7: memref<8192x128xf32, #tpu.memory_space<hbm>>, %arg8: memref<256xi32, #tpu.memory_space<vmem>>, %arg9: memref<256xi32, #tpu.memory_space<vmem>>, %arg10: memref<64x128xf32, #tpu.memory_space<vmem>>, %arg11: memref<64x128xf32, #tpu.memory_space<vmem>>, %arg12: memref<64x128xf32, #tpu.memory_space<vmem>>, %arg13: memref<64x128xf32, #tpu.memory_space<vmem>>, %arg14: memref<!tpu.dma_semaphore, #tpu.memory_space<semaphore_mem>>, %arg15: memref<!tpu.dma_semaphore, #tpu.memory_space<semaphore_mem>>, %arg16: memref<!tpu.dma_semaphore, #tpu.memory_space<semaphore_mem>>, %arg17: memref<!tpu.dma_semaphore, #tpu.memory_space<semaphore_mem>>, %arg18: memref<!tpu.dma_semaphore, #tpu.memory_space<semaphore_mem>>, %arg19: memref<!tpu.dma_semaphore, #tpu.memory_space<semaphore_mem>>, %arg20: memref<!tpu.dma_semaphore, #tpu.memory_space<semaphore_mem>>, %arg21: memref<!tpu.dma_semaphore, #tpu.memory_space<semaphore_mem>>) attributes {dimension_semantics = [#tpu.dimension_semantics<core_parallel>, #tpu.dimension_semantics<subcore_parallel>], iteration_bounds = array<i64: 2, 16>, scalar_prefetch = 0 : i64, scratch_operands = 14 : i64, tpu.core_type = #tpu.core_type<sc_vector_subcore>, window_params = [{transform_indices = #map}, {transform_indices = #map}, {transform_indices = #map1}, {transform_indices = #map1}, {transform_indices = #map1}, {transform_indices = #map1}]} {
    %mul3A = arith.constant 2 : i32
    %mul3A_0 = arith.muli %arg1, %mul3A : i32
    %add3A = arith.addi %mul3A_0, %arg0 : i32
    %mul3A_1 = arith.constant 256 : i32
    %mul3A_2 = arith.muli %add3A, %mul3A_1 : i32
    "tpu.region"() ({
      %run_scoped3A = tpu.sem_alloc : memref<!tpu.dma_semaphore, #tpu.memory_space<semaphore_mem>>
      %dma_start3A_185 = tpu.memref_slice %arg2[%mul3A_2] : memref<8192xi32, #tpu.memory_space<hbm>> -> memref<256xi32, #tpu.memory_space<hbm>>
      %dma_start3A_186 = tpu.memref_slice %arg2[%mul3A_2] : memref<8192xi32, #tpu.memory_space<hbm>> -> memref<256xi32, #tpu.memory_space<hbm>>
      tpu.enqueue_dma source(%dma_start3A_186 : memref<256xi32, #tpu.memory_space<hbm>>) target(%arg8 : memref<256xi32, #tpu.memory_space<vmem>>) target_semaphore(%run_scoped3A : memref<!tpu.dma_semaphore, #tpu.memory_space<semaphore_mem>>)
      %dma_wait3A_187 = tpu.memref_slice %arg2[%mul3A_2] : memref<8192xi32, #tpu.memory_space<hbm>> -> memref<256xi32, #tpu.memory_space<hbm>>
      %dma_wait3A_188 = tpu.memref_slice %arg2[%mul3A_2] : memref<8192xi32, #tpu.memory_space<hbm>> -> memref<256xi32, #tpu.memory_space<hbm>>
      tpu.wait_dma2 semaphore(%run_scoped3A : memref<!tpu.dma_semaphore, #tpu.memory_space<semaphore_mem>>) src(%dma_wait3A_188 : memref<256xi32, #tpu.memory_space<hbm>>) dst(%arg8 : memref<256xi32, #tpu.memory_space<vmem>>)
      tpu.yield
    }) : () -> ()
    "tpu.region"() ({
      %run_scoped3A = tpu.sem_alloc : memref<!tpu.dma_semaphore, #tpu.memory_space<semaphore_mem>>
      %dma_start3A_185 = tpu.memref_slice %arg3[%mul3A_2] : memref<8192xi32, #tpu.memory_space<hbm>> -> memref<256xi32, #tpu.memory_space<hbm>>
      %dma_start3A_186 = tpu.memref_slice %arg3[%mul3A_2] : memref<8192xi32, #tpu.memory_space<hbm>> -> memref<256xi32, #tpu.memory_space<hbm>>
      tpu.enqueue_dma source(%dma_start3A_186 : memref<256xi32, #tpu.memory_space<hbm>>) target(%arg9 : memref<256xi32, #tpu.memory_space<vmem>>) target_semaphore(%run_scoped3A : memref<!tpu.dma_semaphore, #tpu.memory_space<semaphore_mem>>)
      %dma_wait3A_187 = tpu.memref_slice %arg3[%mul3A_2] : memref<8192xi32, #tpu.memory_space<hbm>> -> memref<256xi32, #tpu.memory_space<hbm>>
      %dma_wait3A_188 = tpu.memref_slice %arg3[%mul3A_2] : memref<8192xi32, #tpu.memory_space<hbm>> -> memref<256xi32, #tpu.memory_space<hbm>>
      tpu.wait_dma2 semaphore(%run_scoped3A : memref<!tpu.dma_semaphore, #tpu.memory_space<semaphore_mem>>) src(%dma_wait3A_188 : memref<256xi32, #tpu.memory_space<hbm>>) dst(%arg9 : memref<256xi32, #tpu.memory_space<vmem>>)
      tpu.yield
    }) : () -> ()
    %add3A_3 = arith.constant 0 : i32
    %add3A_4 = arith.addi %mul3A_2, %add3A_3 : i32
    %dma_start3A = arith.constant 0 : i32
    %dma_start3A_5 = tpu.memref_slice %arg8[%dma_start3A] : memref<256xi32, #tpu.memory_space<vmem>> -> memref<64xi32, #tpu.memory_space<vmem>>
    %dma_start3A_6 = arith.constant 0 : i32
    %dma_start3A_7 = arith.constant 0 : i32
    %dma_start3A_8 = tpu.memref_slice %arg4[%dma_start3A_6, %dma_start3A_7] : memref<100000x128xf32, #tpu.memory_space<hbm>> -> memref<100000x128xf32, #tpu.memory_space<hbm>>
    tpu.enqueue_indirect_dma source(%dma_start3A_8 : memref<100000x128xf32, #tpu.memory_space<hbm>>) target(%arg10 : memref<64x128xf32, #tpu.memory_space<vmem>>) offsets(%dma_start3A_5 : memref<64xi32, #tpu.memory_space<vmem>>) semaphore(%arg14 : memref<!tpu.dma_semaphore, #tpu.memory_space<semaphore_mem>>)
    %add3A_9 = arith.constant 64 : i32
    %add3A_10 = arith.addi %mul3A_2, %add3A_9 : i32
    %dma_start3A_11 = arith.constant 64 : i32
    %dma_start3A_12 = tpu.memref_slice %arg8[%dma_start3A_11] : memref<256xi32, #tpu.memory_space<vmem>> -> memref<64xi32, #tpu.memory_space<vmem>>
    %dma_start3A_13 = arith.constant 0 : i32
    %dma_start3A_14 = arith.constant 0 : i32
    %dma_start3A_15 = tpu.memref_slice %arg4[%dma_start3A_13, %dma_start3A_14] : memref<100000x128xf32, #tpu.memory_space<hbm>> -> memref<100000x128xf32, #tpu.memory_space<hbm>>
    tpu.enqueue_indirect_dma source(%dma_start3A_15 : memref<100000x128xf32, #tpu.memory_space<hbm>>) target(%arg11 : memref<64x128xf32, #tpu.memory_space<vmem>>) offsets(%dma_start3A_12 : memref<64xi32, #tpu.memory_space<vmem>>) semaphore(%arg15 : memref<!tpu.dma_semaphore, #tpu.memory_space<semaphore_mem>>)
    %add3A_16 = arith.constant 128 : i32
    %add3A_17 = arith.addi %mul3A_2, %add3A_16 : i32
    %dma_start3A_18 = arith.constant 128 : i32
    %dma_start3A_19 = tpu.memref_slice %arg8[%dma_start3A_18] : memref<256xi32, #tpu.memory_space<vmem>> -> memref<64xi32, #tpu.memory_space<vmem>>
    %dma_start3A_20 = arith.constant 0 : i32
    %dma_start3A_21 = arith.constant 0 : i32
    %dma_start3A_22 = tpu.memref_slice %arg4[%dma_start3A_20, %dma_start3A_21] : memref<100000x128xf32, #tpu.memory_space<hbm>> -> memref<100000x128xf32, #tpu.memory_space<hbm>>
    tpu.enqueue_indirect_dma source(%dma_start3A_22 : memref<100000x128xf32, #tpu.memory_space<hbm>>) target(%arg12 : memref<64x128xf32, #tpu.memory_space<vmem>>) offsets(%dma_start3A_19 : memref<64xi32, #tpu.memory_space<vmem>>) semaphore(%arg16 : memref<!tpu.dma_semaphore, #tpu.memory_space<semaphore_mem>>)
    %add3A_23 = arith.constant 192 : i32
    %add3A_24 = arith.addi %mul3A_2, %add3A_23 : i32
    %dma_start3A_25 = arith.constant 192 : i32
    %dma_start3A_26 = tpu.memref_slice %arg8[%dma_start3A_25] : memref<256xi32, #tpu.memory_space<vmem>> -> memref<64xi32, #tpu.memory_space<vmem>>
    %dma_start3A_27 = arith.constant 0 : i32
    %dma_start3A_28 = arith.constant 0 : i32
    %dma_start3A_29 = tpu.memref_slice %arg4[%dma_start3A_27, %dma_start3A_28] : memref<100000x128xf32, #tpu.memory_space<hbm>> -> memref<100000x128xf32, #tpu.memory_space<hbm>>
    tpu.enqueue_indirect_dma source(%dma_start3A_29 : memref<100000x128xf32, #tpu.memory_space<hbm>>) target(%arg13 : memref<64x128xf32, #tpu.memory_space<vmem>>) offsets(%dma_start3A_26 : memref<64xi32, #tpu.memory_space<vmem>>) semaphore(%arg17 : memref<!tpu.dma_semaphore, #tpu.memory_space<semaphore_mem>>)
    %add3A_30 = arith.constant 0 : i32
    %add3A_31 = arith.addi %mul3A_2, %add3A_30 : i32
    %dma_wait3A = arith.constant 0 : i32
    %dma_wait3A_32 = tpu.memref_slice %arg8[%dma_wait3A] : memref<256xi32, #tpu.memory_space<vmem>> -> memref<64xi32, #tpu.memory_space<vmem>>
    %dma_wait3A_33 = arith.constant 0 : i32
    %dma_wait3A_34 = arith.constant 0 : i32
    %dma_wait3A_35 = tpu.memref_slice %arg4[%dma_wait3A_33, %dma_wait3A_34] : memref<100000x128xf32, #tpu.memory_space<hbm>> -> memref<100000x128xf32, #tpu.memory_space<hbm>>
    tpu.wait_indirect_dma semaphore(%arg14 : memref<!tpu.dma_semaphore, #tpu.memory_space<semaphore_mem>>) src(%dma_wait3A_35 : memref<100000x128xf32, #tpu.memory_space<hbm>>) dst(%arg10 : memref<64x128xf32, #tpu.memory_space<vmem>>)
    %dma_start3A_36 = arith.constant 0 : i32
    %dma_start3A_37 = tpu.memref_slice %arg6[%add3A_31, %dma_start3A_36] : memref<8192x128xf32, #tpu.memory_space<hbm>> -> memref<64x128xf32, #tpu.memory_space<hbm>>
    %dma_start3A_38 = arith.constant 0 : i32
    %dma_start3A_39 = tpu.memref_slice %arg6[%add3A_31, %dma_start3A_38] : memref<8192x128xf32, #tpu.memory_space<hbm>> -> memref<64x128xf32, #tpu.memory_space<hbm>>
    tpu.enqueue_dma source(%arg10 : memref<64x128xf32, #tpu.memory_space<vmem>>) target(%dma_start3A_39 : memref<64x128xf32, #tpu.memory_space<hbm>>) target_semaphore(%arg18 : memref<!tpu.dma_semaphore, #tpu.memory_space<semaphore_mem>>)
    %dma_wait3A_40 = arith.constant 0 : i32
    %dma_wait3A_41 = tpu.memref_slice %arg6[%add3A_31, %dma_wait3A_40] : memref<8192x128xf32, #tpu.memory_space<hbm>> -> memref<64x128xf32, #tpu.memory_space<hbm>>
    %dma_wait3A_42 = arith.constant 0 : i32
    %dma_wait3A_43 = tpu.memref_slice %arg6[%add3A_31, %dma_wait3A_42] : memref<8192x128xf32, #tpu.memory_space<hbm>> -> memref<64x128xf32, #tpu.memory_space<hbm>>
    tpu.wait_dma2 semaphore(%arg18 : memref<!tpu.dma_semaphore, #tpu.memory_space<semaphore_mem>>) src(%arg10 : memref<64x128xf32, #tpu.memory_space<vmem>>) dst(%dma_wait3A_43 : memref<64x128xf32, #tpu.memory_space<hbm>>)
    %add3A_44 = arith.constant 0 : i32
    %add3A_45 = arith.addi %mul3A_2, %add3A_44 : i32
    %dma_start3A_46 = arith.constant 0 : i32
    %dma_start3A_47 = tpu.memref_slice %arg9[%dma_start3A_46] : memref<256xi32, #tpu.memory_space<vmem>> -> memref<64xi32, #tpu.memory_space<vmem>>
    %dma_start3A_48 = arith.constant 0 : i32
    %dma_start3A_49 = arith.constant 0 : i32
    %dma_start3A_50 = tpu.memref_slice %arg5[%dma_start3A_48, %dma_start3A_49] : memref<1000000x128xf32, #tpu.memory_space<hbm>> -> memref<1000000x128xf32, #tpu.memory_space<hbm>>
    tpu.enqueue_indirect_dma source(%dma_start3A_50 : memref<1000000x128xf32, #tpu.memory_space<hbm>>) target(%arg10 : memref<64x128xf32, #tpu.memory_space<vmem>>) offsets(%dma_start3A_47 : memref<64xi32, #tpu.memory_space<vmem>>) semaphore(%arg14 : memref<!tpu.dma_semaphore, #tpu.memory_space<semaphore_mem>>)
    %add3A_51 = arith.constant 64 : i32
    %add3A_52 = arith.addi %mul3A_2, %add3A_51 : i32
    %dma_wait3A_53 = arith.constant 64 : i32
    %dma_wait3A_54 = tpu.memref_slice %arg8[%dma_wait3A_53] : memref<256xi32, #tpu.memory_space<vmem>> -> memref<64xi32, #tpu.memory_space<vmem>>
    %dma_wait3A_55 = arith.constant 0 : i32
    %dma_wait3A_56 = arith.constant 0 : i32
    %dma_wait3A_57 = tpu.memref_slice %arg4[%dma_wait3A_55, %dma_wait3A_56] : memref<100000x128xf32, #tpu.memory_space<hbm>> -> memref<100000x128xf32, #tpu.memory_space<hbm>>
    tpu.wait_indirect_dma semaphore(%arg15 : memref<!tpu.dma_semaphore, #tpu.memory_space<semaphore_mem>>) src(%dma_wait3A_57 : memref<100000x128xf32, #tpu.memory_space<hbm>>) dst(%arg11 : memref<64x128xf32, #tpu.memory_space<vmem>>)
    %dma_start3A_58 = arith.constant 0 : i32
    %dma_start3A_59 = tpu.memref_slice %arg6[%add3A_52, %dma_start3A_58] : memref<8192x128xf32, #tpu.memory_space<hbm>> -> memref<64x128xf32, #tpu.memory_space<hbm>>
    %dma_start3A_60 = arith.constant 0 : i32
    %dma_start3A_61 = tpu.memref_slice %arg6[%add3A_52, %dma_start3A_60] : memref<8192x128xf32, #tpu.memory_space<hbm>> -> memref<64x128xf32, #tpu.memory_space<hbm>>
    tpu.enqueue_dma source(%arg11 : memref<64x128xf32, #tpu.memory_space<vmem>>) target(%dma_start3A_61 : memref<64x128xf32, #tpu.memory_space<hbm>>) target_semaphore(%arg19 : memref<!tpu.dma_semaphore, #tpu.memory_space<semaphore_mem>>)
    %dma_wait3A_62 = arith.constant 0 : i32
    %dma_wait3A_63 = tpu.memref_slice %arg6[%add3A_52, %dma_wait3A_62] : memref<8192x128xf32, #tpu.memory_space<hbm>> -> memref<64x128xf32, #tpu.memory_space<hbm>>
    %dma_wait3A_64 = arith.constant 0 : i32
    %dma_wait3A_65 = tpu.memref_slice %arg6[%add3A_52, %dma_wait3A_64] : memref<8192x128xf32, #tpu.memory_space<hbm>> -> memref<64x128xf32, #tpu.memory_space<hbm>>
    tpu.wait_dma2 semaphore(%arg19 : memref<!tpu.dma_semaphore, #tpu.memory_space<semaphore_mem>>) src(%arg11 : memref<64x128xf32, #tpu.memory_space<vmem>>) dst(%dma_wait3A_65 : memref<64x128xf32, #tpu.memory_space<hbm>>)
    %add3A_66 = arith.constant 64 : i32
    %add3A_67 = arith.addi %mul3A_2, %add3A_66 : i32
    %dma_start3A_68 = arith.constant 64 : i32
    %dma_start3A_69 = tpu.memref_slice %arg9[%dma_start3A_68] : memref<256xi32, #tpu.memory_space<vmem>> -> memref<64xi32, #tpu.memory_space<vmem>>
    %dma_start3A_70 = arith.constant 0 : i32
    %dma_start3A_71 = arith.constant 0 : i32
    %dma_start3A_72 = tpu.memref_slice %arg5[%dma_start3A_70, %dma_start3A_71] : memref<1000000x128xf32, #tpu.memory_space<hbm>> -> memref<1000000x128xf32, #tpu.memory_space<hbm>>
    tpu.enqueue_indirect_dma source(%dma_start3A_72 : memref<1000000x128xf32, #tpu.memory_space<hbm>>) target(%arg11 : memref<64x128xf32, #tpu.memory_space<vmem>>) offsets(%dma_start3A_69 : memref<64xi32, #tpu.memory_space<vmem>>) semaphore(%arg15 : memref<!tpu.dma_semaphore, #tpu.memory_space<semaphore_mem>>)
    %add3A_73 = arith.constant 128 : i32
    %add3A_74 = arith.addi %mul3A_2, %add3A_73 : i32
    %dma_wait3A_75 = arith.constant 128 : i32
    %dma_wait3A_76 = tpu.memref_slice %arg8[%dma_wait3A_75] : memref<256xi32, #tpu.memory_space<vmem>> -> memref<64xi32, #tpu.memory_space<vmem>>
    %dma_wait3A_77 = arith.constant 0 : i32
    %dma_wait3A_78 = arith.constant 0 : i32
    %dma_wait3A_79 = tpu.memref_slice %arg4[%dma_wait3A_77, %dma_wait3A_78] : memref<100000x128xf32, #tpu.memory_space<hbm>> -> memref<100000x128xf32, #tpu.memory_space<hbm>>
    tpu.wait_indirect_dma semaphore(%arg16 : memref<!tpu.dma_semaphore, #tpu.memory_space<semaphore_mem>>) src(%dma_wait3A_79 : memref<100000x128xf32, #tpu.memory_space<hbm>>) dst(%arg12 : memref<64x128xf32, #tpu.memory_space<vmem>>)
    %dma_start3A_80 = arith.constant 0 : i32
    %dma_start3A_81 = tpu.memref_slice %arg6[%add3A_74, %dma_start3A_80] : memref<8192x128xf32, #tpu.memory_space<hbm>> -> memref<64x128xf32, #tpu.memory_space<hbm>>
    %dma_start3A_82 = arith.constant 0 : i32
    %dma_start3A_83 = tpu.memref_slice %arg6[%add3A_74, %dma_start3A_82] : memref<8192x128xf32, #tpu.memory_space<hbm>> -> memref<64x128xf32, #tpu.memory_space<hbm>>
    tpu.enqueue_dma source(%arg12 : memref<64x128xf32, #tpu.memory_space<vmem>>) target(%dma_start3A_83 : memref<64x128xf32, #tpu.memory_space<hbm>>) target_semaphore(%arg20 : memref<!tpu.dma_semaphore, #tpu.memory_space<semaphore_mem>>)
    %dma_wait3A_84 = arith.constant 0 : i32
    %dma_wait3A_85 = tpu.memref_slice %arg6[%add3A_74, %dma_wait3A_84] : memref<8192x128xf32, #tpu.memory_space<hbm>> -> memref<64x128xf32, #tpu.memory_space<hbm>>
    %dma_wait3A_86 = arith.constant 0 : i32
    %dma_wait3A_87 = tpu.memref_slice %arg6[%add3A_74, %dma_wait3A_86] : memref<8192x128xf32, #tpu.memory_space<hbm>> -> memref<64x128xf32, #tpu.memory_space<hbm>>
    tpu.wait_dma2 semaphore(%arg20 : memref<!tpu.dma_semaphore, #tpu.memory_space<semaphore_mem>>) src(%arg12 : memref<64x128xf32, #tpu.memory_space<vmem>>) dst(%dma_wait3A_87 : memref<64x128xf32, #tpu.memory_space<hbm>>)
    %add3A_88 = arith.constant 128 : i32
    %add3A_89 = arith.addi %mul3A_2, %add3A_88 : i32
    %dma_start3A_90 = arith.constant 128 : i32
    %dma_start3A_91 = tpu.memref_slice %arg9[%dma_start3A_90] : memref<256xi32, #tpu.memory_space<vmem>> -> memref<64xi32, #tpu.memory_space<vmem>>
    %dma_start3A_92 = arith.constant 0 : i32
    %dma_start3A_93 = arith.constant 0 : i32
    %dma_start3A_94 = tpu.memref_slice %arg5[%dma_start3A_92, %dma_start3A_93] : memref<1000000x128xf32, #tpu.memory_space<hbm>> -> memref<1000000x128xf32, #tpu.memory_space<hbm>>
    tpu.enqueue_indirect_dma source(%dma_start3A_94 : memref<1000000x128xf32, #tpu.memory_space<hbm>>) target(%arg12 : memref<64x128xf32, #tpu.memory_space<vmem>>) offsets(%dma_start3A_91 : memref<64xi32, #tpu.memory_space<vmem>>) semaphore(%arg16 : memref<!tpu.dma_semaphore, #tpu.memory_space<semaphore_mem>>)
    %add3A_95 = arith.constant 192 : i32
    %add3A_96 = arith.addi %mul3A_2, %add3A_95 : i32
    %dma_wait3A_97 = arith.constant 192 : i32
    %dma_wait3A_98 = tpu.memref_slice %arg8[%dma_wait3A_97] : memref<256xi32, #tpu.memory_space<vmem>> -> memref<64xi32, #tpu.memory_space<vmem>>
    %dma_wait3A_99 = arith.constant 0 : i32
    %dma_wait3A_100 = arith.constant 0 : i32
    %dma_wait3A_101 = tpu.memref_slice %arg4[%dma_wait3A_99, %dma_wait3A_100] : memref<100000x128xf32, #tpu.memory_space<hbm>> -> memref<100000x128xf32, #tpu.memory_space<hbm>>
    tpu.wait_indirect_dma semaphore(%arg17 : memref<!tpu.dma_semaphore, #tpu.memory_space<semaphore_mem>>) src(%dma_wait3A_101 : memref<100000x128xf32, #tpu.memory_space<hbm>>) dst(%arg13 : memref<64x128xf32, #tpu.memory_space<vmem>>)
    %dma_start3A_102 = arith.constant 0 : i32
    %dma_start3A_103 = tpu.memref_slice %arg6[%add3A_96, %dma_start3A_102] : memref<8192x128xf32, #tpu.memory_space<hbm>> -> memref<64x128xf32, #tpu.memory_space<hbm>>
    %dma_start3A_104 = arith.constant 0 : i32
    %dma_start3A_105 = tpu.memref_slice %arg6[%add3A_96, %dma_start3A_104] : memref<8192x128xf32, #tpu.memory_space<hbm>> -> memref<64x128xf32, #tpu.memory_space<hbm>>
    tpu.enqueue_dma source(%arg13 : memref<64x128xf32, #tpu.memory_space<vmem>>) target(%dma_start3A_105 : memref<64x128xf32, #tpu.memory_space<hbm>>) target_semaphore(%arg21 : memref<!tpu.dma_semaphore, #tpu.memory_space<semaphore_mem>>)
    %dma_wait3A_106 = arith.constant 0 : i32
    %dma_wait3A_107 = tpu.memref_slice %arg6[%add3A_96, %dma_wait3A_106] : memref<8192x128xf32, #tpu.memory_space<hbm>> -> memref<64x128xf32, #tpu.memory_space<hbm>>
    %dma_wait3A_108 = arith.constant 0 : i32
    %dma_wait3A_109 = tpu.memref_slice %arg6[%add3A_96, %dma_wait3A_108] : memref<8192x128xf32, #tpu.memory_space<hbm>> -> memref<64x128xf32, #tpu.memory_space<hbm>>
    tpu.wait_dma2 semaphore(%arg21 : memref<!tpu.dma_semaphore, #tpu.memory_space<semaphore_mem>>) src(%arg13 : memref<64x128xf32, #tpu.memory_space<vmem>>) dst(%dma_wait3A_109 : memref<64x128xf32, #tpu.memory_space<hbm>>)
    %add3A_110 = arith.constant 192 : i32
    %add3A_111 = arith.addi %mul3A_2, %add3A_110 : i32
    %dma_start3A_112 = arith.constant 192 : i32
    %dma_start3A_113 = tpu.memref_slice %arg9[%dma_start3A_112] : memref<256xi32, #tpu.memory_space<vmem>> -> memref<64xi32, #tpu.memory_space<vmem>>
    %dma_start3A_114 = arith.constant 0 : i32
    %dma_start3A_115 = arith.constant 0 : i32
    %dma_start3A_116 = tpu.memref_slice %arg5[%dma_start3A_114, %dma_start3A_115] : memref<1000000x128xf32, #tpu.memory_space<hbm>> -> memref<1000000x128xf32, #tpu.memory_space<hbm>>
    tpu.enqueue_indirect_dma source(%dma_start3A_116 : memref<1000000x128xf32, #tpu.memory_space<hbm>>) target(%arg13 : memref<64x128xf32, #tpu.memory_space<vmem>>) offsets(%dma_start3A_113 : memref<64xi32, #tpu.memory_space<vmem>>) semaphore(%arg17 : memref<!tpu.dma_semaphore, #tpu.memory_space<semaphore_mem>>)
    %add3A_117 = arith.constant 0 : i32
    %add3A_118 = arith.addi %mul3A_2, %add3A_117 : i32
    %dma_wait3A_119 = arith.constant 0 : i32
    %dma_wait3A_120 = tpu.memref_slice %arg9[%dma_wait3A_119] : memref<256xi32, #tpu.memory_space<vmem>> -> memref<64xi32, #tpu.memory_space<vmem>>
    %dma_wait3A_121 = arith.constant 0 : i32
    %dma_wait3A_122 = arith.constant 0 : i32
    %dma_wait3A_123 = tpu.memref_slice %arg5[%dma_wait3A_121, %dma_wait3A_122] : memref<1000000x128xf32, #tpu.memory_space<hbm>> -> memref<1000000x128xf32, #tpu.memory_space<hbm>>
    tpu.wait_indirect_dma semaphore(%arg14 : memref<!tpu.dma_semaphore, #tpu.memory_space<semaphore_mem>>) src(%dma_wait3A_123 : memref<1000000x128xf32, #tpu.memory_space<hbm>>) dst(%arg10 : memref<64x128xf32, #tpu.memory_space<vmem>>)
    %dma_start3A_124 = arith.constant 0 : i32
    %dma_start3A_125 = tpu.memref_slice %arg7[%add3A_118, %dma_start3A_124] : memref<8192x128xf32, #tpu.memory_space<hbm>> -> memref<64x128xf32, #tpu.memory_space<hbm>>
    %dma_start3A_126 = arith.constant 0 : i32
    %dma_start3A_127 = tpu.memref_slice %arg7[%add3A_118, %dma_start3A_126] : memref<8192x128xf32, #tpu.memory_space<hbm>> -> memref<64x128xf32, #tpu.memory_space<hbm>>
    tpu.enqueue_dma source(%arg10 : memref<64x128xf32, #tpu.memory_space<vmem>>) target(%dma_start3A_127 : memref<64x128xf32, #tpu.memory_space<hbm>>) target_semaphore(%arg18 : memref<!tpu.dma_semaphore, #tpu.memory_space<semaphore_mem>>)
    %add3A_128 = arith.constant 64 : i32
    %add3A_129 = arith.addi %mul3A_2, %add3A_128 : i32
    %dma_wait3A_130 = arith.constant 64 : i32
    %dma_wait3A_131 = tpu.memref_slice %arg9[%dma_wait3A_130] : memref<256xi32, #tpu.memory_space<vmem>> -> memref<64xi32, #tpu.memory_space<vmem>>
    %dma_wait3A_132 = arith.constant 0 : i32
    %dma_wait3A_133 = arith.constant 0 : i32
    %dma_wait3A_134 = tpu.memref_slice %arg5[%dma_wait3A_132, %dma_wait3A_133] : memref<1000000x128xf32, #tpu.memory_space<hbm>> -> memref<1000000x128xf32, #tpu.memory_space<hbm>>
    tpu.wait_indirect_dma semaphore(%arg15 : memref<!tpu.dma_semaphore, #tpu.memory_space<semaphore_mem>>) src(%dma_wait3A_134 : memref<1000000x128xf32, #tpu.memory_space<hbm>>) dst(%arg11 : memref<64x128xf32, #tpu.memory_space<vmem>>)
    %dma_start3A_135 = arith.constant 0 : i32
    %dma_start3A_136 = tpu.memref_slice %arg7[%add3A_129, %dma_start3A_135] : memref<8192x128xf32, #tpu.memory_space<hbm>> -> memref<64x128xf32, #tpu.memory_space<hbm>>
    %dma_start3A_137 = arith.constant 0 : i32
    %dma_start3A_138 = tpu.memref_slice %arg7[%add3A_129, %dma_start3A_137] : memref<8192x128xf32, #tpu.memory_space<hbm>> -> memref<64x128xf32, #tpu.memory_space<hbm>>
    tpu.enqueue_dma source(%arg11 : memref<64x128xf32, #tpu.memory_space<vmem>>) target(%dma_start3A_138 : memref<64x128xf32, #tpu.memory_space<hbm>>) target_semaphore(%arg19 : memref<!tpu.dma_semaphore, #tpu.memory_space<semaphore_mem>>)
    %add3A_139 = arith.constant 128 : i32
    %add3A_140 = arith.addi %mul3A_2, %add3A_139 : i32
    %dma_wait3A_141 = arith.constant 128 : i32
    %dma_wait3A_142 = tpu.memref_slice %arg9[%dma_wait3A_141] : memref<256xi32, #tpu.memory_space<vmem>> -> memref<64xi32, #tpu.memory_space<vmem>>
    %dma_wait3A_143 = arith.constant 0 : i32
    %dma_wait3A_144 = arith.constant 0 : i32
    %dma_wait3A_145 = tpu.memref_slice %arg5[%dma_wait3A_143, %dma_wait3A_144] : memref<1000000x128xf32, #tpu.memory_space<hbm>> -> memref<1000000x128xf32, #tpu.memory_space<hbm>>
    tpu.wait_indirect_dma semaphore(%arg16 : memref<!tpu.dma_semaphore, #tpu.memory_space<semaphore_mem>>) src(%dma_wait3A_145 : memref<1000000x128xf32, #tpu.memory_space<hbm>>) dst(%arg12 : memref<64x128xf32, #tpu.memory_space<vmem>>)
    %dma_start3A_146 = arith.constant 0 : i32
    %dma_start3A_147 = tpu.memref_slice %arg7[%add3A_140, %dma_start3A_146] : memref<8192x128xf32, #tpu.memory_space<hbm>> -> memref<64x128xf32, #tpu.memory_space<hbm>>
    %dma_start3A_148 = arith.constant 0 : i32
    %dma_start3A_149 = tpu.memref_slice %arg7[%add3A_140, %dma_start3A_148] : memref<8192x128xf32, #tpu.memory_space<hbm>> -> memref<64x128xf32, #tpu.memory_space<hbm>>
    tpu.enqueue_dma source(%arg12 : memref<64x128xf32, #tpu.memory_space<vmem>>) target(%dma_start3A_149 : memref<64x128xf32, #tpu.memory_space<hbm>>) target_semaphore(%arg20 : memref<!tpu.dma_semaphore, #tpu.memory_space<semaphore_mem>>)
    %add3A_150 = arith.constant 192 : i32
    %add3A_151 = arith.addi %mul3A_2, %add3A_150 : i32
    %dma_wait3A_152 = arith.constant 192 : i32
    %dma_wait3A_153 = tpu.memref_slice %arg9[%dma_wait3A_152] : memref<256xi32, #tpu.memory_space<vmem>> -> memref<64xi32, #tpu.memory_space<vmem>>
    %dma_wait3A_154 = arith.constant 0 : i32
    %dma_wait3A_155 = arith.constant 0 : i32
    %dma_wait3A_156 = tpu.memref_slice %arg5[%dma_wait3A_154, %dma_wait3A_155] : memref<1000000x128xf32, #tpu.memory_space<hbm>> -> memref<1000000x128xf32, #tpu.memory_space<hbm>>
    tpu.wait_indirect_dma semaphore(%arg17 : memref<!tpu.dma_semaphore, #tpu.memory_space<semaphore_mem>>) src(%dma_wait3A_156 : memref<1000000x128xf32, #tpu.memory_space<hbm>>) dst(%arg13 : memref<64x128xf32, #tpu.memory_space<vmem>>)
    %dma_start3A_157 = arith.constant 0 : i32
    %dma_start3A_158 = tpu.memref_slice %arg7[%add3A_151, %dma_start3A_157] : memref<8192x128xf32, #tpu.memory_space<hbm>> -> memref<64x128xf32, #tpu.memory_space<hbm>>
    %dma_start3A_159 = arith.constant 0 : i32
    %dma_start3A_160 = tpu.memref_slice %arg7[%add3A_151, %dma_start3A_159] : memref<8192x128xf32, #tpu.memory_space<hbm>> -> memref<64x128xf32, #tpu.memory_space<hbm>>
    tpu.enqueue_dma source(%arg13 : memref<64x128xf32, #tpu.memory_space<vmem>>) target(%dma_start3A_160 : memref<64x128xf32, #tpu.memory_space<hbm>>) target_semaphore(%arg21 : memref<!tpu.dma_semaphore, #tpu.memory_space<semaphore_mem>>)
    %add3A_161 = arith.constant 0 : i32
    %add3A_162 = arith.addi %mul3A_2, %add3A_161 : i32
    %dma_wait3A_163 = arith.constant 0 : i32
    %dma_wait3A_164 = tpu.memref_slice %arg7[%add3A_162, %dma_wait3A_163] : memref<8192x128xf32, #tpu.memory_space<hbm>> -> memref<64x128xf32, #tpu.memory_space<hbm>>
    %dma_wait3A_165 = arith.constant 0 : i32
    %dma_wait3A_166 = tpu.memref_slice %arg7[%add3A_162, %dma_wait3A_165] : memref<8192x128xf32, #tpu.memory_space<hbm>> -> memref<64x128xf32, #tpu.memory_space<hbm>>
    tpu.wait_dma2 semaphore(%arg18 : memref<!tpu.dma_semaphore, #tpu.memory_space<semaphore_mem>>) src(%arg10 : memref<64x128xf32, #tpu.memory_space<vmem>>) dst(%dma_wait3A_166 : memref<64x128xf32, #tpu.memory_space<hbm>>)
    %add3A_167 = arith.constant 64 : i32
    %add3A_168 = arith.addi %mul3A_2, %add3A_167 : i32
    %dma_wait3A_169 = arith.constant 0 : i32
    %dma_wait3A_170 = tpu.memref_slice %arg7[%add3A_168, %dma_wait3A_169] : memref<8192x128xf32, #tpu.memory_space<hbm>> -> memref<64x128xf32, #tpu.memory_space<hbm>>
    %dma_wait3A_171 = arith.constant 0 : i32
    %dma_wait3A_172 = tpu.memref_slice %arg7[%add3A_168, %dma_wait3A_171] : memref<8192x128xf32, #tpu.memory_space<hbm>> -> memref<64x128xf32, #tpu.memory_space<hbm>>
    tpu.wait_dma2 semaphore(%arg19 : memref<!tpu.dma_semaphore, #tpu.memory_space<semaphore_mem>>) src(%arg11 : memref<64x128xf32, #tpu.memory_space<vmem>>) dst(%dma_wait3A_172 : memref<64x128xf32, #tpu.memory_space<hbm>>)
    %add3A_173 = arith.constant 128 : i32
    %add3A_174 = arith.addi %mul3A_2, %add3A_173 : i32
    %dma_wait3A_175 = arith.constant 0 : i32
    %dma_wait3A_176 = tpu.memref_slice %arg7[%add3A_174, %dma_wait3A_175] : memref<8192x128xf32, #tpu.memory_space<hbm>> -> memref<64x128xf32, #tpu.memory_space<hbm>>
    %dma_wait3A_177 = arith.constant 0 : i32
    %dma_wait3A_178 = tpu.memref_slice %arg7[%add3A_174, %dma_wait3A_177] : memref<8192x128xf32, #tpu.memory_space<hbm>> -> memref<64x128xf32, #tpu.memory_space<hbm>>
    tpu.wait_dma2 semaphore(%arg20 : memref<!tpu.dma_semaphore, #tpu.memory_space<semaphore_mem>>) src(%arg12 : memref<64x128xf32, #tpu.memory_space<vmem>>) dst(%dma_wait3A_178 : memref<64x128xf32, #tpu.memory_space<hbm>>)
    %add3A_179 = arith.constant 192 : i32
    %add3A_180 = arith.addi %mul3A_2, %add3A_179 : i32
    %dma_wait3A_181 = arith.constant 0 : i32
    %dma_wait3A_182 = tpu.memref_slice %arg7[%add3A_180, %dma_wait3A_181] : memref<8192x128xf32, #tpu.memory_space<hbm>> -> memref<64x128xf32, #tpu.memory_space<hbm>>
    %dma_wait3A_183 = arith.constant 0 : i32
    %dma_wait3A_184 = tpu.memref_slice %arg7[%add3A_180, %dma_wait3A_183] : memref<8192x128xf32, #tpu.memory_space<hbm>> -> memref<64x128xf32, #tpu.memory_space<hbm>>
    tpu.wait_dma2 semaphore(%arg21 : memref<!tpu.dma_semaphore, #tpu.memory_space<semaphore_mem>>) src(%arg13 : memref<64x128xf32, #tpu.memory_space<vmem>>) dst(%dma_wait3A_184 : memref<64x128xf32, #tpu.memory_space<hbm>>)
    return
  }
}

module attributes {stable_mosaic.version = 14 : i64} {
  func.func @_mlp_body(%arg0: i32, %arg1: memref<4096x128xf32, #tpu.memory_space<vmem>>, %arg2: memref<4096x128xf32, #tpu.memory_space<vmem>>, %arg3: memref<128x256xbf16, #tpu.memory_space<vmem>>, %arg4: memref<128x256xbf16, #tpu.memory_space<vmem>>, %arg5: memref<1x256xf32, #tpu.memory_space<vmem>>, %arg6: memref<256x128xbf16, #tpu.memory_space<vmem>>, %arg7: memref<1x128xf32, #tpu.memory_space<vmem>>, %arg8: memref<1x128xbf16, #tpu.memory_space<vmem>>, %arg9: memref<1x1xf32, #tpu.memory_space<vmem>>, %arg10: memref<1x4096xf32, #tpu.memory_space<vmem>>) attributes {dimension_semantics = [#tpu.dimension_semantics<arbitrary>], iteration_bounds = array<i64: 2>, scalar_prefetch = 0 : i64, scratch_operands = 0 : i64, tpu.core_type = #tpu.core_type<tc>, window_params = [{transform_indices = @transform_0, window_bounds = array<i64: 4096, 128>}, {transform_indices = @transform_1, window_bounds = array<i64: 4096, 128>}, {pipeline_mode = #tpu.pipeline_mode<synchronous>, transform_indices = @transform_2, window_bounds = array<i64: 128, 256>}, {pipeline_mode = #tpu.pipeline_mode<synchronous>, transform_indices = @transform_3, window_bounds = array<i64: 128, 256>}, {pipeline_mode = #tpu.pipeline_mode<synchronous>, transform_indices = @transform_4, window_bounds = array<i64: 1, 256>}, {pipeline_mode = #tpu.pipeline_mode<synchronous>, transform_indices = @transform_5, window_bounds = array<i64: 256, 128>}, {pipeline_mode = #tpu.pipeline_mode<synchronous>, transform_indices = @transform_6, window_bounds = array<i64: 1, 128>}, {pipeline_mode = #tpu.pipeline_mode<synchronous>, transform_indices = @transform_7, window_bounds = array<i64: 1, 128>}, {pipeline_mode = #tpu.pipeline_mode<synchronous>, transform_indices = @transform_8, window_bounds = array<i64: 1, 1>}, {transform_indices = @transform_9, window_bounds = array<i64: 1, 4096>}]} {
    %get3A = arith.constant 0 : index
    %get3A_0 = arith.constant 0 : index
    %get3A_1 = vector.load %arg1[%get3A, %get3A_0] : memref<4096x128xf32, #tpu.memory_space<vmem>>, vector<4096x128xf32>
    %convert_element_type3A = arith.truncf %get3A_1 : vector<4096x128xf32> to vector<4096x128xbf16>
    %get3A_2 = arith.constant 0 : index
    %get3A_3 = arith.constant 0 : index
    %get3A_4 = vector.load %arg2[%get3A_2, %get3A_3] : memref<4096x128xf32, #tpu.memory_space<vmem>>, vector<4096x128xf32>
    %convert_element_type3A_5 = arith.truncf %get3A_4 : vector<4096x128xf32> to vector<4096x128xbf16>
    %get3A_6 = arith.constant 0 : index
    %get3A_7 = arith.constant 0 : index
    %get3A_8 = vector.load %arg3[%get3A_6, %get3A_7] : memref<128x256xbf16, #tpu.memory_space<vmem>>, vector<128x256xbf16>
    %dot_general3A = arith.constant dense<0.000000e+00> : vector<4096x256xf32>
    %dot_general3A_9 = tpu.matmul %convert_element_type3A, %get3A_8, %dot_general3A {dimension_numbers = #tpu.dot_dimension_numbers<[1], [0], [0], [1], [0, 0, 1, 1], [], []>, transpose_lhs_hint = false} : vector<4096x128xbf16>, vector<128x256xbf16>, vector<4096x256xf32> -> vector<4096x256xf32>
    %get3A_10 = arith.constant 0 : index
    %get3A_11 = arith.constant 0 : index
    %get3A_12 = vector.load %arg4[%get3A_10, %get3A_11] : memref<128x256xbf16, #tpu.memory_space<vmem>>, vector<128x256xbf16>
    %dot_general3A_13 = arith.constant dense<0.000000e+00> : vector<4096x256xf32>
    %dot_general3A_14 = tpu.matmul %convert_element_type3A_5, %get3A_12, %dot_general3A_13 {dimension_numbers = #tpu.dot_dimension_numbers<[1], [0], [0], [1], [0, 0, 1, 1], [], []>, transpose_lhs_hint = false} : vector<4096x128xbf16>, vector<128x256xbf16>, vector<4096x256xf32> -> vector<4096x256xf32>
    %add3A = arith.addf %dot_general3A_9, %dot_general3A_14 : vector<4096x256xf32>
    %get3A_15 = arith.constant 0 : index
    %get3A_16 = arith.constant 0 : index
    %get3A_17 = vector.load %arg5[%get3A_15, %get3A_16] : memref<1x256xf32, #tpu.memory_space<vmem>>, vector<1x256xf32>
    %add3A_18 = vector.broadcast %get3A_17 : vector<1x256xf32> to vector<4096x256xf32>
    %add3A_19 = arith.addf %add3A, %add3A_18 : vector<4096x256xf32>
    %max3A = arith.constant 0.000000e+00 : f32
    %max3A_20 = vector.broadcast %max3A : f32 to vector<4096x256xf32>
    %max3A_21 = arith.maximumf %add3A_19, %max3A_20 : vector<4096x256xf32>
    %convert_element_type3A_22 = arith.truncf %max3A_21 : vector<4096x256xf32> to vector<4096x256xbf16>
    %get3A_23 = arith.constant 0 : index
    %get3A_24 = arith.constant 0 : index
    %get3A_25 = vector.load %arg6[%get3A_23, %get3A_24] : memref<256x128xbf16, #tpu.memory_space<vmem>>, vector<256x128xbf16>
    %dot_general3A_26 = arith.constant dense<0.000000e+00> : vector<4096x128xf32>
    %dot_general3A_27 = tpu.matmul %convert_element_type3A_22, %get3A_25, %dot_general3A_26 {dimension_numbers = #tpu.dot_dimension_numbers<[1], [0], [0], [1], [0, 0, 1, 1], [], []>, transpose_lhs_hint = false} : vector<4096x256xbf16>, vector<256x128xbf16>, vector<4096x128xf32> -> vector<4096x128xf32>
    %get3A_28 = arith.constant 0 : index
    %get3A_29 = arith.constant 0 : index
    %get3A_30 = vector.load %arg7[%get3A_28, %get3A_29] : memref<1x128xf32, #tpu.memory_space<vmem>>, vector<1x128xf32>
    %add3A_31 = vector.broadcast %get3A_30 : vector<1x128xf32> to vector<4096x128xf32>
    %add3A_32 = arith.addf %dot_general3A_27, %add3A_31 : vector<4096x128xf32>
    %max3A_33 = arith.constant 0.000000e+00 : f32
    %max3A_34 = vector.broadcast %max3A_33 : f32 to vector<4096x128xf32>
    %max3A_35 = arith.maximumf %add3A_32, %max3A_34 : vector<4096x128xf32>
    %get3A_36 = arith.constant 0 : index
    %get3A_37 = arith.constant 0 : index
    %get3A_38 = vector.load %arg8[%get3A_36, %get3A_37] : memref<1x128xbf16, #tpu.memory_space<vmem>>, vector<1x128xbf16>
    %convert_element_type3A_39 = arith.truncf %max3A_35 : vector<4096x128xf32> to vector<4096x128xbf16>
    %dot_general3A_40 = arith.constant dense<0.000000e+00> : vector<1x4096xf32>
    %dot_general3A_41 = tpu.matmul %get3A_38, %convert_element_type3A_39, %dot_general3A_40 {dimension_numbers = #tpu.dot_dimension_numbers<[1], [1], [0], [0], [0, 0, 1, 0], [], []>, transpose_lhs_hint = false} : vector<1x128xbf16>, vector<4096x128xbf16>, vector<1x4096xf32> -> vector<1x4096xf32>
    %get3A_42 = arith.constant 0 : index
    %get3A_43 = arith.constant 0 : index
    %get3A_44 = vector.load %arg9[%get3A_42, %get3A_43] : memref<1x1xf32, #tpu.memory_space<vmem>>, vector<1x1xf32>
    %add3A_45 = vector.broadcast %get3A_44 : vector<1x1xf32> to vector<1x4096xf32>
    %add3A_46 = arith.addf %dot_general3A_41, %add3A_45 : vector<1x4096xf32>
    %logistic3A = arith.negf %add3A_46 : vector<1x4096xf32>
    %logistic3A_47 = math.exp %logistic3A : vector<1x4096xf32>
    %logistic3A_48 = arith.constant 1.000000e+00 : f32
    %logistic3A_49 = vector.broadcast %logistic3A_48 : f32 to vector<1x4096xf32>
    %logistic3A_50 = arith.addf %logistic3A_49, %logistic3A_47 : vector<1x4096xf32>
    %logistic3A_51 = arith.divf %logistic3A_49, %logistic3A_50 : vector<1x4096xf32>
    %swap3A = arith.constant 0 : index
    %swap3A_52 = arith.constant 0 : index
    %swap3A_53 = vector.load %arg10[%swap3A, %swap3A_52] : memref<1x4096xf32, #tpu.memory_space<vmem>>, vector<1x4096xf32>
    tpu.vector_store %arg10[%swap3A, %swap3A_52], %logistic3A_51 {strides = array<i32>} : memref<1x4096xf32, #tpu.memory_space<vmem>>, vector<1x4096xf32>,
    return
  }
  func.func @transform_0(%arg0: i32) -> (i32, i32) {
    %c0_i32 = arith.constant 0 : i32
    %c0_i32_0 = arith.constant 0 : i32
    return %arg0, %c0_i32 : i32, i32
  }
  func.func @transform_1(%arg0: i32) -> (i32, i32) {
    %c0_i32 = arith.constant 0 : i32
    %c0_i32_0 = arith.constant 0 : i32
    return %arg0, %c0_i32 : i32, i32
  }
  func.func @transform_2(%arg0: i32) -> (i32, i32) {
    %c0_i32 = arith.constant 0 : i32
    %c0_i32_0 = arith.constant 0 : i32
    %c0_i32_1 = arith.constant 0 : i32
    return %c0_i32, %c0_i32_0 : i32, i32
  }
  func.func @transform_3(%arg0: i32) -> (i32, i32) {
    %c0_i32 = arith.constant 0 : i32
    %c0_i32_0 = arith.constant 0 : i32
    %c0_i32_1 = arith.constant 0 : i32
    return %c0_i32, %c0_i32_0 : i32, i32
  }
  func.func @transform_4(%arg0: i32) -> (i32, i32) {
    %c0_i32 = arith.constant 0 : i32
    %c0_i32_0 = arith.constant 0 : i32
    %c0_i32_1 = arith.constant 0 : i32
    return %c0_i32, %c0_i32_0 : i32, i32
  }
  func.func @transform_5(%arg0: i32) -> (i32, i32) {
    %c0_i32 = arith.constant 0 : i32
    %c0_i32_0 = arith.constant 0 : i32
    %c0_i32_1 = arith.constant 0 : i32
    return %c0_i32, %c0_i32_0 : i32, i32
  }
  func.func @transform_6(%arg0: i32) -> (i32, i32) {
    %c0_i32 = arith.constant 0 : i32
    %c0_i32_0 = arith.constant 0 : i32
    %c0_i32_1 = arith.constant 0 : i32
    return %c0_i32, %c0_i32_0 : i32, i32
  }
  func.func @transform_7(%arg0: i32) -> (i32, i32) {
    %c0_i32 = arith.constant 0 : i32
    %c0_i32_0 = arith.constant 0 : i32
    %c0_i32_1 = arith.constant 0 : i32
    return %c0_i32, %c0_i32_0 : i32, i32
  }
  func.func @transform_8(%arg0: i32) -> (i32, i32) {
    %c0_i32 = arith.constant 0 : i32
    %c0_i32_0 = arith.constant 0 : i32
    %c0_i32_1 = arith.constant 0 : i32
    return %c0_i32, %c0_i32_0 : i32, i32
  }
  func.func @transform_9(%arg0: i32) -> (i32, i32) {
    %c0_i32 = arith.constant 0 : i32
    %c0_i32_0 = arith.constant 0 : i32
    return %c0_i32, %arg0 : i32, i32
  }
}

</mosaic_0001>

<sc_bundles>
// kernel: kernel.6.cloned.1.call-start
scs
__scs_entry_jumppad:
0x0: {  	(pc) =	sbr.rel $0x88, $3  }
0x1: {  	(tag) =	ssettag $0x0;
	lr =	simm.s32 $0x1  }
0x2: {  	[smem:$0x3F97] =	sst lr;
	_ =	strace $0xD0000000  }
0x3: {  	_ = 	snop  }
0x4: {  	_ = 	snop  }
0x5: {  	_ = 	snop  }
0x6: {  	_ = 	snop  }
0x7: {  	_ = 	snop  }
__scs_overlays_trampoline_lowered:
0x8: {  	[smem:$0x3FA6] =	sst s0  }
0x9: {  	[smem:$0x3FA7] =	sst s1  }
0xa: {  	[smem:$0x3FA8] =	sst s2  }
0xb: {  	[smem:$0x3FA9] =	sst s3  }
0xc: {  	[smem:$0x3FAA] =	sst s4  }
0xd: {  	[smem:$0x3FAB] =	sst s5  }
0xe: {  	[smem:$0x3FAC] =	sst s6  }
0xf: {  	[smem:$0x3FAD] =	sst s7  }
0x10: {  	[smem:$0x3FAE] =	sst s8  }
0x11: {  	[smem:$0x3FAF] =	sst s9;
	s0 =	simm.s32 @!p0 $0x0  }
0x12: {  	s1 =	sld [smem:$0x3F95];
	s0 =	simm.s32 @p0 $0x1  }
0x13: {  	[smem:$0x3FB0] =	sst s0;
	s0 =	simm.s32 @!p1 $0x0  }
0x14: {  	s2 =	sld [smem:$0x3F94];
	s0 =	simm.s32 @p1 $0x1  }
0x15: {  	[smem:$0x3FB1] =	sst s0;
	s0 =	simm.s32 @!p2 $0x0  }
0x16: {  	s3 =	sld [smem:$0x3FDB];
	s0 =	simm.s32 @p2 $0x1  }
0x17: {  	s4 =	simm.s32 $0x1BF5;
	[smem:$0x3FB3] =	sst s0  }
0x18: {  	s0 =	sld [smem:$0x3F96];
	_ =	swait.ge [sflag:s4], $0x0  }
0x19: {  	s7 =	sld [smem:$0x3F97]  }
0x1a: {  	s8 =	sadd.s32 $0xFFFFE003, lr  }
0x1b: {  	s9 =	sadd.s32 $0xFFFFFEF7, lr;
	s5 =	simm.s32 $0xFFFFFFFF;
	p2 =	slt.u32 s8, $0xFFFFF086  }
0x1c: {  	p1 =	slt.u32 s9, $0xF7A;
	s5 =	simm.s32 @!p2 $0x0  }
0x1d: {  	s5 =	simm.s32 @p1 $0x1;
	p0 =	seq.s32 s7, s2  }
0x1e: {  	s7 =	smul.u32 @!p0 $0xF7A, s2;
	p2 =	seq.s32 @!p0 s5, $0x0  }
0x1f: {  	s9 =	smul.u32 $0xF7A, s1;
	s8 =	simm.s32 @!p0 $0x1BF5;
	p2 =	por !p2, p0  }
0x20: {  	[sflag:s8] =	ssyncset.s32 @!p0 $0xFFFFF086;
	s6 =	sadd.s32 @!p0 s3, s7;
	s7 =	simm.s32 @!p0 $0x108  }
0x21: {  	s3 =	sadd.s32 s3, s9;
	s6 =	sadd.s32 @!p0 $0x88, s6;
	s7 =	simm.s32 @p2 $0x1082  }
0x22: {  	[simem:s7], [sflag:s8] =	dma.local @!p0 [hbm:s6], $0xF7A  }
0x23: {  	s9 =	sor.u32 $0xD0000000, s2;
	s6 =	simm.s32 $0x108;
	_ =	swait.ge @!p0 [sflag:s8], $0x0  }
0x24: {  	s3 =	sadd.s32 $0x88, s3;
	s6 =	simm.s32 @!p1 $0x1082;
	[sflag:s4] =	ssyncset.s32 $0xFFFFF086  }
0x25: {  	[simem:s6], [sflag:s4] =	dma.local [hbm:s3], $0xF7A  }
0x26: {  	[smem:$0x3F97] =	sst s1;
	(tag) =	ssettag s2;
	_ =	strace s9  }
0x27: {  	s1 =	sld [smem:$0x3FA7]  }
0x28: {  	s2 =	sld [smem:$0x3FA8]  }
0x29: {  	s4 =	sld [smem:$0x3FAA]  }
0x2a: {  	p0 =	seq.s32 s5, $0x0;
	s5 =	sld [smem:$0x3FAB]  }
0x2b: {  	s6 =	sld [smem:$0x3FAC]  }
0x2c: {  	s7 =	sld [smem:$0x3FAD]  }
0x2d: {  	s3 =	simm.s32 $0x108;
	s8 =	sld [smem:$0x3FAE]  }
0x2e: {  	s3 =	simm.s32 @!p0 $0x1082;
	s9 =	sld [smem:$0x3FAF]  }
0x2f: {  	lr =	sadd.s32 s0, s3;
	s0 =	sld [smem:$0x3FA6]  }
0x30: {  	s3 =	sld [smem:$0x3FA9]  }
0x31: {  	[smem:$0x3FB2] =	sst s10  }
0x32: {  	s10 =	sld [smem:$0x3FB0];
	_ =	sdelay $0x3  }
0x33: {  	p0 =	seq.s32 s10, $0x1;
	s10 =	sld [smem:$0x3FB2];
	_ =	sdelay $0x3  }
0x34: {  	[smem:$0x3FB2] =	sst s10  }
0x35: {  	s10 =	sld [smem:$0x3FB1];
	_ =	sdelay $0x3  }
0x36: {  	p1 =	seq.s32 s10, $0x1;
	s10 =	sld [smem:$0x3FB2];
	_ =	sdelay $0x3  }
0x37: {  	[smem:$0x3FB2] =	sst s10  }
0x38: {  	s10 =	sld [smem:$0x3FB3]  }
0x39: {  	_ = 	snop;
	(pc) =	sbr.ind lr, $3  }
0x3a: {  	_ = 	snop  }
0x3b: {  	_ = 	snop  }
0x3c: {  	p2 =	seq.s32 s10, $0x1;
	s10 =	sld [smem:$0x3FB2]  }
0x3d: {  	_ =	shalt  }
0x3e: {  	_ =	shalt  }
0x3f: {  	_ =	shalt  }
0x40: {  	_ =	shalt  }
0x41: {  	_ =	shalt  }
0x42: {  	_ =	shalt  }
0x43: {  	_ =	shalt  }
0x44: {  	_ =	shalt  }
0x45: {  	_ =	shalt  }
0x46: {  	_ =	shalt  }
0x47: {  	_ =	shalt  }
0x48: {  	_ =	shalt  }
0x49: {  	_ =	shalt  }
0x4a: {  	_ =	shalt  }
0x4b: {  	_ =	shalt  }
0x4c: {  	_ =	shalt  }
0x4d: {  	_ =	shalt  }
0x4e: {  	_ =	shalt  }
0x4f: {  	_ =	shalt  }
0x50: {  	_ =	shalt  }
0x51: {  	_ =	shalt  }
0x52: {  	_ =	shalt  }
0x53: {  	_ =	shalt  }
0x54: {  	_ =	shalt  }
0x55: {  	_ =	shalt  }
0x56: {  	_ =	shalt  }
0x57: {  	_ =	shalt  }
0x58: {  	_ =	shalt  }
0x59: {  	_ =	shalt  }
0x5a: {  	_ =	shalt  }
0x5b: {  	_ =	shalt  }
0x5c: {  	_ =	shalt  }
0x5d: {  	_ =	shalt  }
0x5e: {  	_ =	shalt  }
0x5f: {  	_ =	shalt  }
0x60: {  	_ =	shalt  }
0x61: {  	_ =	shalt  }
0x62: {  	_ =	shalt  }
0x63: {  	_ =	shalt  }
0x64: {  	_ =	shalt  }
0x65: {  	_ =	shalt  }
0x66: {  	_ =	shalt  }
0x67: {  	_ =	shalt  }
0x68: {  	_ =	shalt  }
0x69: {  	_ =	shalt  }
0x6a: {  	_ =	shalt  }
0x6b: {  	_ =	shalt  }
0x6c: {  	_ =	shalt  }
0x6d: {  	_ =	shalt  }
0x6e: {  	_ =	shalt  }
0x6f: {  	_ =	shalt  }
0x70: {  	_ =	shalt  }
0x71: {  	_ =	shalt  }
0x72: {  	_ =	shalt  }
0x73: {  	_ =	shalt  }
0x74: {  	_ =	shalt  }
0x75: {  	_ =	shalt  }
0x76: {  	_ =	shalt  }
0x77: {  	_ =	shalt  }
0x78: {  	_ =	shalt  }
0x79: {  	_ =	shalt  }
0x7a: {  	_ =	shalt  }
0x7b: {  	_ =	shalt  }
0x7c: {  	_ =	shalt  }
0x7d: {  	_ =	shalt  }
0x7e: {  	_ =	shalt  }
0x7f: {  	_ =	shalt  }
0x80: {  	_ =	shalt  }
0x81: {  	_ =	shalt  }
0x82: {  	_ =	shalt  }
0x83: {  	_ =	shalt  }
0x84: {  	_ =	shalt  }
0x85: {  	_ =	shalt  }
0x86: {  	_ =	shalt  }
0x87: {  	_ =	shalt  }
.Lfunc_end0:
.L_simem_size_0:
called_computation_lowered:
.L_overlay_start_0:
0x88: {  	s2 =	sld [smem:$0x3FD9]  }
0x89: {  	s3 =	sld [smem:$0x3FFE];
	_ =	sdelay $0x1  }
0x8a: {  	s1 =	srdreg.scid  }
0x8b: {  	s0 =	sand.u32 $0x1, s1  }
0x8c: {  	s17 =	sshll.u32 s0, $0xA;
	s2 =	sadd.s32 s3, s2  }
0x8d: {  	s2 =	sadd.s32 s2, s17  }
0x8e: {  	[smem:$0x3FBE] =	sst s2  }
0x8f: {  	_ = 	snop  }
0x90: {  	s2 =	sld [smem:$0x3FC7]  }
0x91: {  	s18 =	sld [smem:$0x3FC6]  }
0x92: {  	s4 =	sld [smem:$0x3FD0];
	(tm) =	ssettm $0x1  }
0x93: {  	s5 =	sld [smem:$0x3FFB];
	_ =	sdelay $0x3  }
0x94: {  	_ =	strace s5  }
0x95: {  	s5 =	sld [smem:$0x3FFC];
	_ =	sdelay $0x3  }
0x96: {  	_ =	strace s5  }
0x97: {  	s5 =	sld [smem:$0x3FFD];
	_ =	sdelay $0x3  }
0x98: {  	_ =	strace s5  }
0x99: {  	_ =	strace $0x8FFFFFFF  }
0x9a: {  	s19 =	sld [smem:$0x3FDB];
	_ =	sdelay $0x1  }
0x9b: {  	s6 =	simm.s32 $_scs_section_size  }
0x9c: {  	s7 =	simm.s32 $_size__tile_overlayer_lowered;
	s8 =	simm.s32 $_tile_overlayer_lowered  }
0x9d: {  	s22 =	simm.s32 $0x1BFF;
	s21 =	sshll.u32 s8, $0x1;
	s5 =	sadd.s32 s6, s19  }
0x9e: {  	s9 =	simm.s32 $0x0;
	s20 =	sshll.u32 s7, $0x1;
	s7 =	sadd.s32 s21, s5  }
0x9f: {  	[timem:s9], [sflag:s22] =	dma.local [hbm:s7], s20  }
0xa0: {  	_ =	swait.ge [sflag:s22], s20  }
0xa1: {  	s6 =	ssub.s32 $0x0, s20;
	[sflag:s22] =	ssyncset.done $0x0  }
0xa2: {  	[sflag:s22] =	ssyncadd.s32 s6;
	_ =	sdelay $0x1  }
0xa3: {  	s23 =	simm.s32 $0x1B8B  }
0xa4: {  	_ =	swait.ge [sflag:s23], $0x1  }
0xa5: {  	[sflag:s23] =	ssyncset.done $0x0  }
0xa6: {  	s25 =	simm.s32 $0x1B8E;
	s24 =	sld [smem:$0x3FFE];
	[sflag:s23] =	ssyncadd.s32 $0xFFFFFFFF  }
0xa7: {  	s26 =	simm.s32 $execute0_lowered;
	[smem:$0x3FD2] =	sst s25  }
0xa8: {  	s7 =	sshll.u32 s26, $0x1;
	_ =	strace $0x80000046;
	[dreg:$0x1] =	wrdreg $0xFFFFFFFF  }
0xa9: {  	s28 =	simm.s32 $_size_execute0_lowered;
	s5 =	sadd.s32 s5, s7;
	[dreg:$0x0] =	wrdreg $0x0  }
0xaa: {  	s7 =	sshll.u32 s28, $0x1;
	[dreg:$0x2] =	wrdreg s5  }
0xab: {  	[dreg:$0x3] =	wrdreg s7  }
0xac: {  	[dreg:$0x4] =	wrdreg $0xC0  }
0xad: {  	_ =	task [dreg:s9], $0x5FFFF  }
0xae: {  	[dreg:$0x1] =	wrdreg $0xFFFFFFFF  }
0xaf: {  	[dreg:$0x0] =	wrdreg $0x60  }
0xb0: {  	[dreg:$0x2] =	wrdreg s24  }
0xb1: {  	[dreg:$0x3] =	wrdreg s4  }
0xb2: {  	[dreg:$0x4] =	wrdreg s2  }
0xb3: {  	[dreg:$0x5] =	wrdreg s18  }
0xb4: {  	[dreg:$0x6] =	wrdreg $0x9  }
0xb5: {  	_ =	task.clear_ibuf [dreg:s9], $0x7FFFF;
	_ =	strace $0x90000046  }
0xb6: {  	s29 =	simm.s32 $0x9;
	_ =	strace $0x80000048  }
0xb7: {  	_ =	swait.ge [sflag:s29], $0x1  }
0xb8: {  	[sflag:s29] =	ssyncadd.s32 $0xFFFFFFFF  }
0xb9: {  	_ =	strace $0x90000048  }
0xba: {  	_ =	sfence  }
0xbb: {  	s30 =	sld [smem:$0x0];
	_ =	sdelay $0x2  }
0xbc: {  	s31 =	sshll.u32 s1, $0xD;
	s1 =	sshrl.u32 s1, $0x2  }
0xbd: {  	s3 =	sand.u32 $0x4000, s31;
	s1 =	sadd.s32 s1, s30  }
0xbe: {  	s0 =	sor.u32 s3, s0;
	s1 =	sshll.u32 s1, $0x11  }
0xbf: {  	s0 =	sor.u32 s1, s0  }
0xc0: {  	s0 =	sadd.s32 $0x8F2B, s0  }
0xc1: {  	[sflag:s0] =	ssyncadd.remote.s32 $0x1  }
0xc2: {  	_ =	sfence.sel $0xFFFF  }
0xc3: {  	[dreg:$0x0] =	wrdreg $0xFFFFFFFF;
	(pc) =	sbr.abs _section_cstart, $3  }
0xc4: {  	[dreg:$0x1] =	wrdreg $0xFFFFFFFF  }
0xc5: {  	_ =	task.clear_ibuf [dreg:s9], $0x2FFFF;
	_ =	strace $0x9FFFFFFF  }
0xc6: {  	(tm) =	ssettm $0x7FFFFFFF  }
0xc7: {  	_ =	shalt  }
tec
execute0_lowered:
.L_overlay_start_1:
0x0: {  	(tag) =	ssettag $0x1  }
0x1: {  	s28 =	rddreg [dreg:$0x0]  }
0x2: {  	s1 =	srdreg.scid;
	s5 =	rddreg [dreg:$0x1]  }
0x3: {  	s0 =	stileid.u32;
	s2 =	rddreg [dreg:$0x2];
	s1 =	sand.u32 $0x1, s1  }
0x4: {  	s3 =	rddreg [dreg:$0x3];
	s4 =	sshll.u32 s0, $0x9;
	s6 =	sshll.u32 s1, $0x8  }
0x5: {  	[dreg:$0x9] =	wrdreg s1;
	s6 =	sor.u32 s6, s4;
	s4 =	simm.s32 $0x0  }
0x6: {  	s24 =	sadd.s32 $0x3200, s28;
	s7 =	sshrl.u32 s6, $0x3;
	[smem:$0x7FF] =	sst s4  }
0x7: {  	s30 =	sshll.u32 s6, $0x4;
	s8 =	sadd.s32 s7, s28;
	s5 =	sadd.s32 s5, s7  }
0x8: {  	_ =	strace $0x80000047;
	s23 =	sadd.s32 s24, s30;
	[dreg:$0x6] =	wrdreg s5  }
0x9: {  	s29 =	sor.u32 $0x400, s30;
	s8 =	sadd.s32 $0x2600, s8;
	[dreg:$0x7] =	wrdreg s23  }
0xa: {  	s26 =	sadd.s32 s24, s29;
	[dreg:$0x5] =	wrdreg s8  }
0xb: {  	[dreg:$0x8] =	wrdreg s26  }
0xc: {  	s5 =	simm.s32 $0x9;
	s25 =	rddreg [dreg:$0x5]  }
0xd: {  	[tilespmem:s4], [sflag:$0x9] =	stream.linear.gather [hbm4b:s25+s4], $0x100, $0x38;
	[tilespmem:$0x8200] =	vst v63  }
0xe: {  	_ =	swait.ge [sflag:s5], $0x100  }
0xf: {  	[sflag:s5] =	ssyncset.done $0x0  }
0x10: {  	s6 =	simm.s32 $0x100;
	s0 =	rddreg [dreg:$0x6];
	[sflag:s5] =	ssyncadd.s32 $0xFFFFFF00  }
0x11: {  	[tilespmem:s6], [sflag:$0x9] =	stream.linear.gather [hbm4b:s0+s4], $0x100, $0x38;
	[tilespmem:$0x8200] =	vst v63  }
0x12: {  	_ =	swait.ge [sflag:s5], $0x100  }
0x13: {  	[sflag:s5] =	ssyncset.done $0x0  }
0x14: {  	s7 =	simm.s32 $0x40;
	s8 =	simm.s32 $0x200;
	[sflag:s5] =	ssyncadd.s32 $0xFFFFFF00  }
0x15: {  	[tilespmem:s8], [sflag:$0x1] =	stream.indirect.gather [hbm4b:s2+s7], $0x80, s4, s7, $0xb8;
	[tilespmem:$0x8200] =	vst v63  }
0x16: {  	s9 =	simm.s32 $0x2200  }
0x17: {  	[tilespmem:s9], [sflag:$0x2] =	stream.indirect.gather [hbm4b:s2+s7], $0x80, s7, s7, $0xb8;
	[tilespmem:$0x8200] =	vst v63  }
0x18: {  	s10 =	simm.s32 $0x80;
	s11 =	simm.s32 $0x4200  }
0x19: {  	[tilespmem:s11], [sflag:$0x3] =	stream.indirect.gather [hbm4b:s2+s7], $0x80, s10, s7, $0xb8;
	[tilespmem:$0x8200] =	vst v63  }
0x1a: {  	s12 =	simm.s32 $0xC0;
	s13 =	simm.s32 $0x6200;
	s14 =	simm.s32 $0x1  }
0x1b: {  	[tilespmem:s13], [sflag:$0x4] =	stream.indirect.gather [hbm4b:s2+s7], $0x80, s12, s7, $0xb8;
	[tilespmem:$0x8200] =	vst v63  }
0x1c: {  	_ =	swait.ge [sflag:s14], $0x2000  }
0x1d: {  	[sflag:s14] =	ssyncset.done $0x0  }
0x1e: {  	s15 =	simm.s32 $0x5;
	s16 =	rddreg [dreg:$0x7];
	[sflag:s14] =	ssyncadd.s32 $0xFFFFE000  }
0x1f: {  	[hbm4b:s16+s4] =	stream.linear.scatter [tilespmem:s8], [sflag:$0x5], $0x2000, $0x38;
	[tilespmem:$0x8200] =	vst v63  }
0x20: {  	_ =	swait.ge [sflag:s15], $0x2000  }
0x21: {  	[sflag:s15] =	ssyncset.done $0x0  }
0x22: {  	s16 =	simm.s32 $0x2;
	[sflag:s15] =	ssyncadd.s32 $0xFFFFE000  }
0x23: {  	[tilespmem:s8], [sflag:$0x1] =	stream.indirect.gather [hbm4b:s3+s7], $0x80, s6, s7, $0xb8;
	[tilespmem:$0x8200] =	vst v63  }
0x24: {  	_ =	swait.ge [sflag:s16], $0x2000  }
0x25: {  	[sflag:s16] =	ssyncset.done $0x0  }
0x26: {  	s17 =	simm.s32 $0x6;
	s18 =	rddreg [dreg:$0x8];
	[sflag:s16] =	ssyncadd.s32 $0xFFFFE000  }
0x27: {  	[hbm4b:s18+s4] =	stream.linear.scatter [tilespmem:s9], [sflag:$0x6], $0x2000, $0x38;
	[tilespmem:$0x8200] =	vst v63  }
0x28: {  	_ =	swait.ge [sflag:s17], $0x2000  }
0x29: {  	[sflag:s17] =	ssyncset.done $0x0  }
0x2a: {  	s19 =	simm.s32 $0x3;
	s18 =	simm.s32 $0x140;
	[sflag:s17] =	ssyncadd.s32 $0xFFFFE000  }
0x2b: {  	[tilespmem:s9], [sflag:$0x2] =	stream.indirect.gather [hbm4b:s3+s7], $0x80, s18, s7, $0xb8;
	[tilespmem:$0x8200] =	vst v63  }
0x2c: {  	_ =	swait.ge [sflag:s19], $0x2000  }
0x2d: {  	s31 =	sor.u32 $0x800, s30;
	[sflag:s19] =	ssyncset.done $0x0  }
0x2e: {  	s21 =	simm.s32 $0x7;
	s20 =	sadd.s32 s24, s31;
	[sflag:s19] =	ssyncadd.s32 $0xFFFFE000  }
0x2f: {  	[hbm4b:s20+s4] =	stream.linear.scatter [tilespmem:s11], [sflag:$0x7], $0x2000, $0x38;
	[tilespmem:$0x8200] =	vst v63  }
0x30: {  	_ =	swait.ge [sflag:s21], $0x2000  }
0x31: {  	[sflag:s21] =	ssyncset.done $0x0  }
0x32: {  	s22 =	simm.s32 $0x180;
	s23 =	simm.s32 $0x4;
	[sflag:s21] =	ssyncadd.s32 $0xFFFFE000  }
0x33: {  	[tilespmem:s11], [sflag:$0x3] =	stream.indirect.gather [hbm4b:s3+s7], $0x80, s22, s7, $0xb8;
	[tilespmem:$0x8200] =	vst v63  }
0x34: {  	_ =	swait.ge [sflag:s23], $0x2000  }
0x35: {  	s1 =	sor.u32 $0xC00, s30;
	[sflag:s23] =	ssyncset.done $0x0  }
0x36: {  	s24 =	sadd.s32 s24, s1;
	s25 =	simm.s32 $0x8;
	[sflag:s23] =	ssyncadd.s32 $0xFFFFE000  }
0x37: {  	[hbm4b:s24+s4] =	stream.linear.scatter [tilespmem:s13], [sflag:$0x8], $0x2000, $0x38;
	[tilespmem:$0x8200] =	vst v63  }
0x38: {  	_ =	swait.ge [sflag:s25], $0x2000  }
0x39: {  	[sflag:s25] =	ssyncset.done $0x0  }
0x3a: {  	s26 =	simm.s32 $0x1C0;
	[sflag:s25] =	ssyncadd.s32 $0xFFFFE000  }
0x3b: {  	[tilespmem:s13], [sflag:$0x4] =	stream.indirect.gather [hbm4b:s3+s7], $0x80, s26, s7, $0xb8;
	[tilespmem:$0x8200] =	vst v63  }
0x3c: {  	_ =	swait.ge [sflag:s14], $0x2000  }
0x3d: {  	s0 =	sadd.s32 $0x23200, s28;
	[sflag:s14] =	ssyncset.done $0x0  }
0x3e: {  	s28 =	sadd.s32 s0, s30;
	[sflag:s14] =	ssyncadd.s32 $0xFFFFE000  }
0x3f: {  	[hbm4b:s28+s4] =	stream.linear.scatter [tilespmem:s8], [sflag:$0x5], $0x2000, $0x38;
	[tilespmem:$0x8200] =	vst v63  }
0x40: {  	_ =	swait.ge [sflag:s16], $0x2000  }
0x41: {  	[sflag:s16] =	ssyncset.done $0x0  }
0x42: {  	s29 =	sadd.s32 s0, s29;
	[sflag:s16] =	ssyncadd.s32 $0xFFFFE000  }
0x43: {  	[hbm4b:s29+s4] =	stream.linear.scatter [tilespmem:s9], [sflag:$0x6], $0x2000, $0x38;
	[tilespmem:$0x8200] =	vst v63  }
0x44: {  	_ =	swait.ge [sflag:s19], $0x2000  }
0x45: {  	[sflag:s19] =	ssyncset.done $0x0  }
0x46: {  	s30 =	sadd.s32 s0, s31;
	[sflag:s19] =	ssyncadd.s32 $0xFFFFE000  }
0x47: {  	[hbm4b:s30+s4] =	stream.linear.scatter [tilespmem:s11], [sflag:$0x7], $0x2000, $0x38;
	[tilespmem:$0x8200] =	vst v63  }
0x48: {  	_ =	swait.ge [sflag:s23], $0x2000  }
0x49: {  	[sflag:s23] =	ssyncset.done $0x0  }
0x4a: {  	s31 =	sadd.s32 s0, s1;
	[sflag:s23] =	ssyncadd.s32 $0xFFFFE000  }
0x4b: {  	[hbm4b:s31+s4] =	stream.linear.scatter [tilespmem:s13], [sflag:$0x8], $0x2000, $0x38;
	[tilespmem:$0x8200] =	vst v63  }
0x4c: {  	_ =	swait.ge [sflag:s15], $0x2000  }
0x4d: {  	[sflag:s15] =	ssyncset.done $0x0  }
0x4e: {  	[sflag:s15] =	ssyncadd.s32 $0xFFFFE000  }
0x4f: {  	_ =	swait.ge [sflag:s17], $0x2000  }
0x50: {  	s1 =	rddreg [dreg:$0x9]  }
0x51: {  	s0 =	ssub.s32 $0x2, s1  }
0x52: {  	s1 =	sshrl.u32 s0, $0x1  }
0x53: {  	s0 =	ssub.s32 s0, s1  }
0x54: {  	s0 =	smax.u32 s0, $0x1  }
0x55: {  	[sflag:s17] =	ssyncset.done $0x0;
	p0 =	sne.s32 s0, $0x1  }
.Ltmp0:
0x56: {  	[sflag:s17] =	ssyncadd.s32 $0xFFFFE000;
	(pc) =	sbr.rel @!p0 .LBB2_2-.Ltmp0, $4  }
0x57: {  	_ =	swait.ge [sflag:s21], $0x2000  }
0x58: {  	[sflag:s21] =	ssyncset.done $0x0  }
0x59: {  	[sflag:s21] =	ssyncadd.s32 $0xFFFFE000  }
0x5a: {  	s1 =	sadd.s32 $0xFFFFFFFF, s0;
	_ =	swait.ge [sflag:s25], $0x2000  }
.LBB2_1:
0x5b: {  	[sflag:s25] =	ssyncset.done $0x0  }
0x5c: {  	s0 =	rddreg [dreg:$0x5];
	[sflag:s25] =	ssyncadd.s32 $0xFFFFE000  }
0x5d: {  	[tilespmem:s4], [sflag:$0x9] =	stream.linear.gather [hbm4b:s0+s4], $0x100, $0x38;
	[tilespmem:$0x8200] =	vst v63  }
0x5e: {  	_ =	swait.ge [sflag:s5], $0x100  }
0x5f: {  	[sflag:s5] =	ssyncset.done $0x0  }
0x60: {  	s0 =	rddreg [dreg:$0x6];
	[sflag:s5] =	ssyncadd.s32 $0xFFFFFF00  }
0x61: {  	[tilespmem:s6], [sflag:$0x9] =	stream.linear.gather [hbm4b:s0+s4], $0x100, $0x38;
	[tilespmem:$0x8200] =	vst v63  }
0x62: {  	_ =	swait.ge [sflag:s5], $0x100  }
0x63: {  	[sflag:s5] =	ssyncset.done $0x0  }
0x64: {  	[sflag:s5] =	ssyncadd.s32 $0xFFFFFF00  }
0x65: {  	[tilespmem:s8], [sflag:$0x1] =	stream.indirect.gather [hbm4b:s2+s7], $0x80, s4, s7, $0xb8;
	[tilespmem:$0x8200] =	vst v63  }
0x66: {  	_ = 	snop  }
0x67: {  	[tilespmem:s9], [sflag:$0x2] =	stream.indirect.gather [hbm4b:s2+s7], $0x80, s7, s7, $0xb8;
	[tilespmem:$0x8200] =	vst v63  }
0x68: {  	_ = 	snop  }
0x69: {  	[tilespmem:s11], [sflag:$0x3] =	stream.indirect.gather [hbm4b:s2+s7], $0x80, s10, s7, $0xb8;
	[tilespmem:$0x8200] =	vst v63  }
0x6a: {  	_ = 	snop  }
0x6b: {  	[tilespmem:s13], [sflag:$0x4] =	stream.indirect.gather [hbm4b:s2+s7], $0x80, s12, s7, $0xb8;
	[tilespmem:$0x8200] =	vst v63  }
0x6c: {  	_ =	swait.ge [sflag:s14], $0x2000  }
0x6d: {  	[sflag:s14] =	ssyncset.done $0x0  }
0x6e: {  	s0 =	rddreg [dreg:$0x7];
	[sflag:s14] =	ssyncadd.s32 $0xFFFFE000  }
0x6f: {  	[hbm4b:s0+s4] =	stream.linear.scatter [tilespmem:s8], [sflag:$0x5], $0x2000, $0x38;
	[tilespmem:$0x8200] =	vst v63  }
0x70: {  	_ =	swait.ge [sflag:s15], $0x2000  }
0x71: {  	[sflag:s15] =	ssyncset.done $0x0  }
0x72: {  	[sflag:s15] =	ssyncadd.s32 $0xFFFFE000  }
0x73: {  	[tilespmem:s8], [sflag:$0x1] =	stream.indirect.gather [hbm4b:s3+s7], $0x80, s6, s7, $0xb8;
	[tilespmem:$0x8200] =	vst v63  }
0x74: {  	_ =	swait.ge [sflag:s16], $0x2000  }
0x75: {  	[sflag:s16] =	ssyncset.done $0x0  }
0x76: {  	s0 =	rddreg [dreg:$0x8];
	[sflag:s16] =	ssyncadd.s32 $0xFFFFE000  }
0x77: {  	[hbm4b:s0+s4] =	stream.linear.scatter [tilespmem:s9], [sflag:$0x6], $0x2000, $0x38;
	[tilespmem:$0x8200] =	vst v63  }
0x78: {  	_ =	swait.ge [sflag:s17], $0x2000  }
0x79: {  	[sflag:s17] =	ssyncset.done $0x0  }
0x7a: {  	[sflag:s17] =	ssyncadd.s32 $0xFFFFE000  }
0x7b: {  	[tilespmem:s9], [sflag:$0x2] =	stream.indirect.gather [hbm4b:s3+s7], $0x80, s18, s7, $0xb8;
	[tilespmem:$0x8200] =	vst v63  }
0x7c: {  	_ =	swait.ge [sflag:s19], $0x2000  }
0x7d: {  	[sflag:s19] =	ssyncset.done $0x0  }
0x7e: {  	[sflag:s19] =	ssyncadd.s32 $0xFFFFE000  }
0x7f: {  	[hbm4b:s20+s4] =	stream.linear.scatter [tilespmem:s11], [sflag:$0x7], $0x2000, $0x38;
	[tilespmem:$0x8200] =	vst v63  }
0x80: {  	_ =	swait.ge [sflag:s21], $0x2000  }
0x81: {  	[sflag:s21] =	ssyncset.done $0x0  }
0x82: {  	[sflag:s21] =	ssyncadd.s32 $0xFFFFE000  }
0x83: {  	[tilespmem:s11], [sflag:$0x3] =	stream.indirect.gather [hbm4b:s3+s7], $0x80, s22, s7, $0xb8;
	[tilespmem:$0x8200] =	vst v63  }
0x84: {  	_ =	swait.ge [sflag:s23], $0x2000  }
0x85: {  	[sflag:s23] =	ssyncset.done $0x0  }
0x86: {  	[sflag:s23] =	ssyncadd.s32 $0xFFFFE000  }
0x87: {  	[hbm4b:s24+s4] =	stream.linear.scatter [tilespmem:s13], [sflag:$0x8], $0x2000, $0x38;
	[tilespmem:$0x8200] =	vst v63  }
0x88: {  	_ =	swait.ge [sflag:s25], $0x2000  }
0x89: {  	[sflag:s25] =	ssyncset.done $0x0  }
0x8a: {  	[sflag:s25] =	ssyncadd.s32 $0xFFFFE000  }
0x8b: {  	[tilespmem:s13], [sflag:$0x4] =	stream.indirect.gather [hbm4b:s3+s7], $0x80, s26, s7, $0xb8;
	[tilespmem:$0x8200] =	vst v63  }
0x8c: {  	_ =	swait.ge [sflag:s14], $0x2000  }
0x8d: {  	[sflag:s14] =	ssyncset.done $0x0  }
0x8e: {  	[sflag:s14] =	ssyncadd.s32 $0xFFFFE000  }
0x8f: {  	[hbm4b:s28+s4] =	stream.linear.scatter [tilespmem:s8], [sflag:$0x5], $0x2000, $0x38;
	[tilespmem:$0x8200] =	vst v63  }
0x90: {  	_ =	swait.ge [sflag:s16], $0x2000  }
0x91: {  	[sflag:s16] =	ssyncset.done $0x0  }
0x92: {  	[sflag:s16] =	ssyncadd.s32 $0xFFFFE000  }
0x93: {  	[hbm4b:s29+s4] =	stream.linear.scatter [tilespmem:s9], [sflag:$0x6], $0x2000, $0x38;
	[tilespmem:$0x8200] =	vst v63  }
0x94: {  	_ =	swait.ge [sflag:s19], $0x2000  }
0x95: {  	[sflag:s19] =	ssyncset.done $0x0  }
0x96: {  	[sflag:s19] =	ssyncadd.s32 $0xFFFFE000  }
0x97: {  	[hbm4b:s30+s4] =	stream.linear.scatter [tilespmem:s11], [sflag:$0x7], $0x2000, $0x38;
	[tilespmem:$0x8200] =	vst v63  }
0x98: {  	_ =	swait.ge [sflag:s23], $0x2000  }
0x99: {  	[sflag:s23] =	ssyncset.done $0x0  }
0x9a: {  	[sflag:s23] =	ssyncadd.s32 $0xFFFFE000  }
0x9b: {  	[hbm4b:s31+s4] =	stream.linear.scatter [tilespmem:s13], [sflag:$0x8], $0x2000, $0x38;
	[tilespmem:$0x8200] =	vst v63  }
0x9c: {  	_ =	swait.ge [sflag:s15], $0x2000  }
0x9d: {  	[sflag:s15] =	ssyncset.done $0x0  }
0x9e: {  	[sflag:s15] =	ssyncadd.s32 $0xFFFFE000  }
0x9f: {  	_ =	swait.ge [sflag:s17], $0x2000  }
0xa0: {  	p0 =	sne.s32 s1, $0x1;
	[sflag:s17] =	ssyncset.done $0x0  }
.Ltmp1:
0xa1: {  	[sflag:s17] =	ssyncadd.s32 $0xFFFFE000;
	(pc) =	sbr.rel @p0 .LBB2_1-.Ltmp1, $4  }
0xa2: {  	_ =	swait.ge [sflag:s21], $0x2000  }
0xa3: {  	[sflag:s21] =	ssyncset.done $0x0  }
0xa4: {  	[sflag:s21] =	ssyncadd.s32 $0xFFFFE000  }
0xa5: {  	s1 =	sadd.s32 $0xFFFFFFFF, s1;
	_ =	swait.ge [sflag:s25], $0x2000  }
.LBB2_2:
0xa6: {  	[sflag:s25] =	ssyncset.done $0x0  }
0xa7: {  	[sflag:s25] =	ssyncadd.s32 $0xFFFFE000  }
0xa8: {  	_ =	sfence.sel $0x180000  }
0xa9: {  	[bflag:$0x0] =	sbarrier.arrive $0xFFFF  }
0xaa: {  	_ =	strace $0x90000047  }
0xab: {  	s0 =	stileid.u32;
	[bflag:$0x2] =	sbarrier.arrive $0xFFFF  }
0xac: {  	p0 =	sne.s32 s0, $0x0;
	s0 =	rddreg [dreg:$0x4]  }
0xad: {  	s0 =	sadd.s32 @!p0 $0x100000, s0  }
0xae: {  	[sflag:s0] =	ssyncadd.tile.s32 @!p0 $0x1;
	_ =	shalt  }
.Lfunc_end2:
_tile_overlayer_lowered:
.L_overlay_start_2:
0xaf: {  	(tag) =	ssettag $0x2  }
0xb0: {  	s0 =	rddreg [dreg:$0x0];
	s2 =	stileid.u32  }
0xb1: {  	s1 =	rddreg [dreg:$0x1];
	p0 =	sne.s32 s2, $0x0  }
0xb2: {  	s3 =	rddreg [dreg:$0x2];
	[bflag:$0x3] =	sbarrier.arrive $0xFFFF;
	s2 =	simm.s32 @!p0 $0x1C09  }
0xb3: {  	[timem:s3], [sflag:s2] =	dma.local @!p0 [hbm:s0], s1  }
0xb4: {  	s0 =	simm.s32 @!p0 $0x9  }
0xb5: {  	_ =	swait.ge @!p0 [sflag:s0], s1  }
0xb6: {  	s1 =	ssub.s32 @!p0 $0x0, s1;
	[sflag:s0] =	ssyncset.done @!p0 $0x0  }
0xb7: {  	[sflag:s0] =	ssyncadd.s32 @!p0 s1  }
0xb8: {  	[bflag:$0x3] =	sbarrier.arrive $0xFFFF  }
0xb9: {  	_ =	shalt  }

// kernel: kernel.9.cloned.1.call-start
scs
__scs_entry_jumppad:
0x0: {  	(pc) =	sbr.rel $0x88, $3  }
0x1: {  	(tag) =	ssettag $0x0;
	lr =	simm.s32 $0x1  }
0x2: {  	[smem:$0x3F97] =	sst lr;
	_ =	strace $0xD0000000  }
0x3: {  	_ = 	snop  }
0x4: {  	_ = 	snop  }
0x5: {  	_ = 	snop  }
0x6: {  	_ = 	snop  }
0x7: {  	_ = 	snop  }
__scs_overlays_trampoline_lowered:
0x8: {  	[smem:$0x3FA6] =	sst s0  }
0x9: {  	[smem:$0x3FA7] =	sst s1  }
0xa: {  	[smem:$0x3FA8] =	sst s2  }
0xb: {  	[smem:$0x3FA9] =	sst s3  }
0xc: {  	[smem:$0x3FAA] =	sst s4  }
0xd: {  	[smem:$0x3FAB] =	sst s5  }
0xe: {  	[smem:$0x3FAC] =	sst s6  }
0xf: {  	[smem:$0x3FAD] =	sst s7  }
0x10: {  	[smem:$0x3FAE] =	sst s8  }
0x11: {  	[smem:$0x3FAF] =	sst s9;
	s0 =	simm.s32 @!p0 $0x0  }
0x12: {  	s1 =	sld [smem:$0x3F95];
	s0 =	simm.s32 @p0 $0x1  }
0x13: {  	[smem:$0x3FB0] =	sst s0;
	s0 =	simm.s32 @!p1 $0x0  }
0x14: {  	s2 =	sld [smem:$0x3F94];
	s0 =	simm.s32 @p1 $0x1  }
0x15: {  	[smem:$0x3FB1] =	sst s0;
	s0 =	simm.s32 @!p2 $0x0  }
0x16: {  	s3 =	sld [smem:$0x3FDB];
	s0 =	simm.s32 @p2 $0x1  }
0x17: {  	s4 =	simm.s32 $0x1BF5;
	[smem:$0x3FB3] =	sst s0  }
0x18: {  	s0 =	sld [smem:$0x3F96];
	_ =	swait.ge [sflag:s4], $0x0  }
0x19: {  	s7 =	sld [smem:$0x3F97]  }
0x1a: {  	s8 =	sadd.s32 $0xFFFFE003, lr  }
0x1b: {  	s9 =	sadd.s32 $0xFFFFFEF7, lr;
	s5 =	simm.s32 $0xFFFFFFFF;
	p2 =	slt.u32 s8, $0xFFFFF086  }
0x1c: {  	p1 =	slt.u32 s9, $0xF7A;
	s5 =	simm.s32 @!p2 $0x0  }
0x1d: {  	s5 =	simm.s32 @p1 $0x1;
	p0 =	seq.s32 s7, s2  }
0x1e: {  	s7 =	smul.u32 @!p0 $0xF7A, s2;
	p2 =	seq.s32 @!p0 s5, $0x0  }
0x1f: {  	s9 =	smul.u32 $0xF7A, s1;
	s8 =	simm.s32 @!p0 $0x1BF5;
	p2 =	por !p2, p0  }
0x20: {  	[sflag:s8] =	ssyncset.s32 @!p0 $0xFFFFF086;
	s6 =	sadd.s32 @!p0 s3, s7;
	s7 =	simm.s32 @!p0 $0x108  }
0x21: {  	s3 =	sadd.s32 s3, s9;
	s6 =	sadd.s32 @!p0 $0x88, s6;
	s7 =	simm.s32 @p2 $0x1082  }
0x22: {  	[simem:s7], [sflag:s8] =	dma.local @!p0 [hbm:s6], $0xF7A  }
0x23: {  	s9 =	sor.u32 $0xD0000000, s2;
	s6 =	simm.s32 $0x108;
	_ =	swait.ge @!p0 [sflag:s8], $0x0  }
0x24: {  	s3 =	sadd.s32 $0x88, s3;
	s6 =	simm.s32 @!p1 $0x1082;
	[sflag:s4] =	ssyncset.s32 $0xFFFFF086  }
0x25: {  	[simem:s6], [sflag:s4] =	dma.local [hbm:s3], $0xF7A  }
0x26: {  	[smem:$0x3F97] =	sst s1;
	(tag) =	ssettag s2;
	_ =	strace s9  }
0x27: {  	s1 =	sld [smem:$0x3FA7]  }
0x28: {  	s2 =	sld [smem:$0x3FA8]  }
0x29: {  	s4 =	sld [smem:$0x3FAA]  }
0x2a: {  	p0 =	seq.s32 s5, $0x0;
	s5 =	sld [smem:$0x3FAB]  }
0x2b: {  	s6 =	sld [smem:$0x3FAC]  }
0x2c: {  	s7 =	sld [smem:$0x3FAD]  }
0x2d: {  	s3 =	simm.s32 $0x108;
	s8 =	sld [smem:$0x3FAE]  }
0x2e: {  	s3 =	simm.s32 @!p0 $0x1082;
	s9 =	sld [smem:$0x3FAF]  }
0x2f: {  	lr =	sadd.s32 s0, s3;
	s0 =	sld [smem:$0x3FA6]  }
0x30: {  	s3 =	sld [smem:$0x3FA9]  }
0x31: {  	[smem:$0x3FB2] =	sst s10  }
0x32: {  	s10 =	sld [smem:$0x3FB0];
	_ =	sdelay $0x3  }
0x33: {  	p0 =	seq.s32 s10, $0x1;
	s10 =	sld [smem:$0x3FB2];
	_ =	sdelay $0x3  }
0x34: {  	[smem:$0x3FB2] =	sst s10  }
0x35: {  	s10 =	sld [smem:$0x3FB1];
	_ =	sdelay $0x3  }
0x36: {  	p1 =	seq.s32 s10, $0x1;
	s10 =	sld [smem:$0x3FB2];
	_ =	sdelay $0x3  }
0x37: {  	[smem:$0x3FB2] =	sst s10  }
0x38: {  	s10 =	sld [smem:$0x3FB3]  }
0x39: {  	_ = 	snop;
	(pc) =	sbr.ind lr, $3  }
0x3a: {  	_ = 	snop  }
0x3b: {  	_ = 	snop  }
0x3c: {  	p2 =	seq.s32 s10, $0x1;
	s10 =	sld [smem:$0x3FB2]  }
0x3d: {  	_ =	shalt  }
0x3e: {  	_ =	shalt  }
0x3f: {  	_ =	shalt  }
0x40: {  	_ =	shalt  }
0x41: {  	_ =	shalt  }
0x42: {  	_ =	shalt  }
0x43: {  	_ =	shalt  }
0x44: {  	_ =	shalt  }
0x45: {  	_ =	shalt  }
0x46: {  	_ =	shalt  }
0x47: {  	_ =	shalt  }
0x48: {  	_ =	shalt  }
0x49: {  	_ =	shalt  }
0x4a: {  	_ =	shalt  }
0x4b: {  	_ =	shalt  }
0x4c: {  	_ =	shalt  }
0x4d: {  	_ =	shalt  }
0x4e: {  	_ =	shalt  }
0x4f: {  	_ =	shalt  }
0x50: {  	_ =	shalt  }
0x51: {  	_ =	shalt  }
0x52: {  	_ =	shalt  }
0x53: {  	_ =	shalt  }
0x54: {  	_ =	shalt  }
0x55: {  	_ =	shalt  }
0x56: {  	_ =	shalt  }
0x57: {  	_ =	shalt  }
0x58: {  	_ =	shalt  }
0x59: {  	_ =	shalt  }
0x5a: {  	_ =	shalt  }
0x5b: {  	_ =	shalt  }
0x5c: {  	_ =	shalt  }
0x5d: {  	_ =	shalt  }
0x5e: {  	_ =	shalt  }
0x5f: {  	_ =	shalt  }
0x60: {  	_ =	shalt  }
0x61: {  	_ =	shalt  }
0x62: {  	_ =	shalt  }
0x63: {  	_ =	shalt  }
0x64: {  	_ =	shalt  }
0x65: {  	_ =	shalt  }
0x66: {  	_ =	shalt  }
0x67: {  	_ =	shalt  }
0x68: {  	_ =	shalt  }
0x69: {  	_ =	shalt  }
0x6a: {  	_ =	shalt  }
0x6b: {  	_ =	shalt  }
0x6c: {  	_ =	shalt  }
0x6d: {  	_ =	shalt  }
0x6e: {  	_ =	shalt  }
0x6f: {  	_ =	shalt  }
0x70: {  	_ =	shalt  }
0x71: {  	_ =	shalt  }
0x72: {  	_ =	shalt  }
0x73: {  	_ =	shalt  }
0x74: {  	_ =	shalt  }
0x75: {  	_ =	shalt  }
0x76: {  	_ =	shalt  }
0x77: {  	_ =	shalt  }
0x78: {  	_ =	shalt  }
0x79: {  	_ =	shalt  }
0x7a: {  	_ =	shalt  }
0x7b: {  	_ =	shalt  }
0x7c: {  	_ =	shalt  }
0x7d: {  	_ =	shalt  }
0x7e: {  	_ =	shalt  }
0x7f: {  	_ =	shalt  }
0x80: {  	_ =	shalt  }
0x81: {  	_ =	shalt  }
0x82: {  	_ =	shalt  }
0x83: {  	_ =	shalt  }
0x84: {  	_ =	shalt  }
0x85: {  	_ =	shalt  }
0x86: {  	_ =	shalt  }
0x87: {  	_ =	shalt  }
.Lfunc_end0:
.L_simem_size_0:
called_computation.1_lowered:
.L_overlay_start_0:
0x88: {  	s2 =	sld [smem:$0x3FD9]  }
0x89: {  	s3 =	sld [smem:$0x3FFE];
	_ =	sdelay $0x1  }
0x8a: {  	s1 =	srdreg.scid  }
0x8b: {  	s0 =	sand.u32 $0x1, s1  }
0x8c: {  	s17 =	sshll.u32 s0, $0xA;
	s2 =	sadd.s32 s3, s2  }
0x8d: {  	s2 =	sadd.s32 s2, s17  }
0x8e: {  	[smem:$0x3FBE] =	sst s2  }
0x8f: {  	_ = 	snop  }
0x90: {  	s18 =	sld [smem:$0x3FC7]  }
0x91: {  	s4 =	sld [smem:$0x3FC6];
	(tm) =	ssettm $0x1  }
0x92: {  	s19 =	sld [smem:$0x3FFB];
	_ =	sdelay $0x3  }
0x93: {  	_ =	strace s19  }
0x94: {  	s2 =	sld [smem:$0x3FFC];
	_ =	sdelay $0x3  }
0x95: {  	_ =	strace s2  }
0x96: {  	s2 =	sld [smem:$0x3FFD];
	_ =	sdelay $0x3  }
0x97: {  	_ =	strace s2  }
0x98: {  	_ =	strace $0x8FFFFFFF  }
0x99: {  	s20 =	sld [smem:$0x3FDB];
	_ =	sdelay $0x1  }
0x9a: {  	s5 =	simm.s32 $_scs_section_size  }
0x9b: {  	s6 =	simm.s32 $_size__tile_overlayer_lowered;
	s7 =	simm.s32 $_tile_overlayer_lowered  }
0x9c: {  	s8 =	simm.s32 $0x1BFF;
	s21 =	sshll.u32 s7, $0x1;
	s5 =	sadd.s32 s5, s20  }
0x9d: {  	s22 =	simm.s32 $0x0;
	s6 =	sshll.u32 s6, $0x1;
	s7 =	sadd.s32 s21, s5  }
0x9e: {  	[timem:s22], [sflag:s8] =	dma.local [hbm:s7], s6  }
0x9f: {  	_ =	swait.ge [sflag:s8], s6  }
0xa0: {  	s6 =	ssub.s32 $0x0, s6;
	[sflag:s8] =	ssyncset.done $0x0  }
0xa1: {  	[sflag:s8] =	ssyncadd.s32 s6;
	_ =	sdelay $0x1  }
0xa2: {  	s23 =	simm.s32 $0x1B8B  }
0xa3: {  	_ =	swait.ge [sflag:s23], $0x1  }
0xa4: {  	[sflag:s23] =	ssyncset.done $0x0  }
0xa5: {  	[sflag:s23] =	ssyncadd.s32 $0xFFFFFFFF  }
0xa6: {  	s6 =	sld [smem:$0x0]  }
0xa7: {  	s7 =	sand.u32 $0xFFFFFFFE, s1  }
0xa8: {  	p0 =	sne.s32 s1, s7  }
0xa9: {  	s7 =	sshll.u32 @p0 s7, $0xE  }
0xaa: {  	s7 =	sadd.s32 @p0 $0x11B8D, s7;
	s8 =	sshll.u32 @p0 s6, $0x11  }
0xab: {  	s7 =	sor.u32 @p0 s8, s7  }
0xac: {  	[sflag:s7] =	ssyncadd.remote.s32 @p0 $0x1;
	_ =	sdelay $0x1  }
0xad: {  	s7 =	simm.s32 @p0 $0x1B8D  }
0xae: {  	_ =	swait.eq @p0 [sflag:s7], $0x1  }
0xaf: {  	[sflag:s7] =	ssyncadd.s32 @p0 $0xFFFFFFFF  }
0xb0: {  	s8 =	sshll.u32 @!p0 s1, $0xE  }
0xb1: {  	s8 =	sor.u32 @!p0 $0x4000, s8;
	s7 =	simm.s32 @!p0 $0x1B8D  }
0xb2: {  	s6 =	sshll.u32 @!p0 s6, $0x11;
	s8 =	sadd.s32 @!p0 $0x11B8D, s8;
	_ =	swait.eq @!p0 [sflag:s7], $0x1  }
0xb3: {  	s6 =	sor.u32 @!p0 s6, s8;
	[sflag:s7] =	ssyncadd.s32 @!p0 $0xFFFFFFFF  }
0xb4: {  	s25 =	simm.s32 $0x1B8E;
	s24 =	sld [smem:$0x3FFE];
	[sflag:s6] =	ssyncadd.remote.s32 @!p0 $0x1  }
0xb5: {  	s26 =	simm.s32 $execute0_lowered;
	[smem:$0x3FD2] =	sst s25  }
0xb6: {  	s7 =	sshll.u32 s26, $0x1;
	_ =	strace $0x80000049;
	[dreg:$0x1] =	wrdreg $0xFFFFFFFF  }
0xb7: {  	s28 =	simm.s32 $_size_execute0_lowered;
	s5 =	sadd.s32 s5, s7;
	[dreg:$0x0] =	wrdreg $0x0  }
0xb8: {  	s7 =	sshll.u32 s28, $0x1;
	[dreg:$0x2] =	wrdreg s5  }
0xb9: {  	[dreg:$0x3] =	wrdreg s7  }
0xba: {  	[dreg:$0x4] =	wrdreg $0xC0  }
0xbb: {  	_ =	task [dreg:s22], $0x5FFFF  }
0xbc: {  	[dreg:$0x1] =	wrdreg $0xFFFFFFFF  }
0xbd: {  	[dreg:$0x0] =	wrdreg $0x60  }
0xbe: {  	[dreg:$0x2] =	wrdreg s24  }
0xbf: {  	[dreg:$0x3] =	wrdreg s18  }
0xc0: {  	[dreg:$0x4] =	wrdreg s4  }
0xc1: {  	[dreg:$0x5] =	wrdreg $0xA  }
0xc2: {  	_ =	task.clear_ibuf [dreg:s22], $0x6FFFF;
	_ =	strace $0x90000049  }
0xc3: {  	s29 =	simm.s32 $0xA;
	_ =	strace $0x8000004B  }
0xc4: {  	_ =	swait.ge [sflag:s29], $0x1  }
0xc5: {  	[sflag:s29] =	ssyncadd.s32 $0xFFFFFFFF  }
0xc6: {  	_ =	strace $0x9000004B  }
0xc7: {  	_ =	sfence  }
0xc8: {  	s30 =	sld [smem:$0x0];
	_ =	sdelay $0x2  }
0xc9: {  	s31 =	sshll.u32 s1, $0xD;
	s1 =	sshrl.u32 s1, $0x2  }
0xca: {  	s4 =	sand.u32 $0x4000, s31;
	s1 =	sadd.s32 s1, s30  }
0xcb: {  	s0 =	sor.u32 s4, s0;
	s1 =	sshll.u32 s1, $0x11  }
0xcc: {  	s0 =	sor.u32 s1, s0  }
0xcd: {  	s0 =	sadd.s32 $0x8F2B, s0  }
0xce: {  	[sflag:s0] =	ssyncadd.remote.s32 $0x1  }
0xcf: {  	_ =	sfence.sel $0xFFFF  }
0xd0: {  	[dreg:$0x0] =	wrdreg $0xFFFFFFFF;
	(pc) =	sbr.abs _section_cstart, $3  }
0xd1: {  	[dreg:$0x1] =	wrdreg $0xFFFFFFFF  }
0xd2: {  	_ =	task.clear_ibuf [dreg:s22], $0x2FFFF;
	_ =	strace $0x9FFFFFFF  }
0xd3: {  	(tm) =	ssettm $0x7FFFFFFF  }
tec
execute0_lowered:
.L_overlay_start_1:
0x0: {  	(tag) =	ssettag $0x1  }
0x1: {  	s1 =	srdreg.scid;
	s28 =	rddreg [dreg:$0x0]  }
0x2: {  	s0 =	stileid.u32;
	s2 =	rddreg [dreg:$0x1];
	s1 =	sand.u32 $0x1, s1  }
0x3: {  	s3 =	rddreg [dreg:$0x2];
	s4 =	sshll.u32 s0, $0x9;
	s5 =	sshll.u32 s1, $0x8  }
0x4: {  	s24 =	sadd.s32 $0x43200, s28;
	[dreg:$0x8] =	wrdreg s1;
	s5 =	sor.u32 s5, s4  }
0x5: {  	s4 =	simm.s32 $0x0;
	s6 =	sshrl.u32 s5, $0x3;
	s30 =	sshll.u32 s5, $0x4  }
0x6: {  	[smem:$0x7FF] =	sst s4;
	s6 =	sadd.s32 s6, s28;
	s5 =	sadd.s32 s24, s30  }
0x7: {  	_ =	strace $0x8000004A;
	s7 =	sadd.s32 $0x2E00, s6;
	[dreg:$0x6] =	wrdreg s5  }
0x8: {  	s29 =	sor.u32 $0x400, s30;
	s6 =	sadd.s32 $0x2A00, s6;
	[dreg:$0x4] =	wrdreg s7  }
0x9: {  	s26 =	sadd.s32 s24, s29;
	[dreg:$0x5] =	wrdreg s6  }
0xa: {  	[dreg:$0x7] =	wrdreg s26  }
0xb: {  	s5 =	simm.s32 $0x9;
	s25 =	rddreg [dreg:$0x4]  }
0xc: {  	[tilespmem:s4], [sflag:$0x9] =	stream.linear.gather [hbm4b:s25+s4], $0x100, $0x38;
	[tilespmem:$0x8200] =	vst v63  }
0xd: {  	_ =	swait.ge [sflag:s5], $0x100  }
0xe: {  	[sflag:s5] =	ssyncset.done $0x0  }
0xf: {  	s6 =	simm.s32 $0x100;
	s0 =	rddreg [dreg:$0x5];
	[sflag:s5] =	ssyncadd.s32 $0xFFFFFF00  }
0x10: {  	[tilespmem:s6], [sflag:$0x9] =	stream.linear.gather [hbm4b:s0+s4], $0x100, $0x38;
	[tilespmem:$0x8200] =	vst v63  }
0x11: {  	_ =	swait.ge [sflag:s5], $0x100  }
0x12: {  	[sflag:s5] =	ssyncset.done $0x0  }
0x13: {  	s8 =	simm.s32 $0x200;
	s7 =	simm.s32 $0x40;
	[sflag:s5] =	ssyncadd.s32 $0xFFFFFF00  }
0x14: {  	[tilespmem:s8], [sflag:$0x1] =	stream.indirect.gather [hbm4b:s2+s7], $0x80, s4, s7, $0xb8;
	[tilespmem:$0x8200] =	vst v63  }
0x15: {  	s9 =	simm.s32 $0x2200  }
0x16: {  	[tilespmem:s9], [sflag:$0x2] =	stream.indirect.gather [hbm4b:s2+s7], $0x80, s7, s7, $0xb8;
	[tilespmem:$0x8200] =	vst v63  }
0x17: {  	s10 =	simm.s32 $0x80;
	s11 =	simm.s32 $0x4200  }
0x18: {  	[tilespmem:s11], [sflag:$0x3] =	stream.indirect.gather [hbm4b:s2+s7], $0x80, s10, s7, $0xb8;
	[tilespmem:$0x8200] =	vst v63  }
0x19: {  	s12 =	simm.s32 $0xC0;
	s13 =	simm.s32 $0x6200;
	s14 =	simm.s32 $0x1  }
0x1a: {  	[tilespmem:s13], [sflag:$0x4] =	stream.indirect.gather [hbm4b:s2+s7], $0x80, s12, s7, $0xb8;
	[tilespmem:$0x8200] =	vst v63  }
0x1b: {  	_ =	swait.ge [sflag:s14], $0x2000  }
0x1c: {  	[sflag:s14] =	ssyncset.done $0x0  }
0x1d: {  	s15 =	simm.s32 $0x5;
	s16 =	rddreg [dreg:$0x6];
	[sflag:s14] =	ssyncadd.s32 $0xFFFFE000  }
0x1e: {  	[hbm4b:s16+s4] =	stream.linear.scatter [tilespmem:s8], [sflag:$0x5], $0x2000, $0x38;
	[tilespmem:$0x8200] =	vst v63  }
0x1f: {  	_ =	swait.ge [sflag:s15], $0x2000  }
0x20: {  	[sflag:s15] =	ssyncset.done $0x0  }
0x21: {  	s16 =	simm.s32 $0x2;
	[sflag:s15] =	ssyncadd.s32 $0xFFFFE000  }
0x22: {  	[tilespmem:s8], [sflag:$0x1] =	stream.indirect.gather [hbm4b:s3+s7], $0x80, s6, s7, $0xb8;
	[tilespmem:$0x8200] =	vst v63  }
0x23: {  	_ =	swait.ge [sflag:s16], $0x2000  }
0x24: {  	[sflag:s16] =	ssyncset.done $0x0  }
0x25: {  	s17 =	simm.s32 $0x6;
	s18 =	rddreg [dreg:$0x7];
	[sflag:s16] =	ssyncadd.s32 $0xFFFFE000  }
0x26: {  	[hbm4b:s18+s4] =	stream.linear.scatter [tilespmem:s9], [sflag:$0x6], $0x2000, $0x38;
	[tilespmem:$0x8200] =	vst v63  }
0x27: {  	_ =	swait.ge [sflag:s17], $0x2000  }
0x28: {  	[sflag:s17] =	ssyncset.done $0x0  }
0x29: {  	s19 =	simm.s32 $0x3;
	s18 =	simm.s32 $0x140;
	[sflag:s17] =	ssyncadd.s32 $0xFFFFE000  }
0x2a: {  	[tilespmem:s9], [sflag:$0x2] =	stream.indirect.gather [hbm4b:s3+s7], $0x80, s18, s7, $0xb8;
	[tilespmem:$0x8200] =	vst v63  }
0x2b: {  	_ =	swait.ge [sflag:s19], $0x2000  }
0x2c: {  	s31 =	sor.u32 $0x800, s30;
	[sflag:s19] =	ssyncset.done $0x0  }
0x2d: {  	s21 =	simm.s32 $0x7;
	s20 =	sadd.s32 s24, s31;
	[sflag:s19] =	ssyncadd.s32 $0xFFFFE000  }
0x2e: {  	[hbm4b:s20+s4] =	stream.linear.scatter [tilespmem:s11], [sflag:$0x7], $0x2000, $0x38;
	[tilespmem:$0x8200] =	vst v63  }
0x2f: {  	_ =	swait.ge [sflag:s21], $0x2000  }
0x30: {  	[sflag:s21] =	ssyncset.done $0x0  }
0x31: {  	s22 =	simm.s32 $0x180;
	s23 =	simm.s32 $0x4;
	[sflag:s21] =	ssyncadd.s32 $0xFFFFE000  }
0x32: {  	[tilespmem:s11], [sflag:$0x3] =	stream.indirect.gather [hbm4b:s3+s7], $0x80, s22, s7, $0xb8;
	[tilespmem:$0x8200] =	vst v63  }
0x33: {  	_ =	swait.ge [sflag:s23], $0x2000  }
0x34: {  	s1 =	sor.u32 $0xC00, s30;
	[sflag:s23] =	ssyncset.done $0x0  }
0x35: {  	s24 =	sadd.s32 s24, s1;
	s25 =	simm.s32 $0x8;
	[sflag:s23] =	ssyncadd.s32 $0xFFFFE000  }
0x36: {  	[hbm4b:s24+s4] =	stream.linear.scatter [tilespmem:s13], [sflag:$0x8], $0x2000, $0x38;
	[tilespmem:$0x8200] =	vst v63  }
0x37: {  	_ =	swait.ge [sflag:s25], $0x2000  }
0x38: {  	[sflag:s25] =	ssyncset.done $0x0  }
0x39: {  	s26 =	simm.s32 $0x1C0;
	[sflag:s25] =	ssyncadd.s32 $0xFFFFE000  }
0x3a: {  	[tilespmem:s13], [sflag:$0x4] =	stream.indirect.gather [hbm4b:s3+s7], $0x80, s26, s7, $0xb8;
	[tilespmem:$0x8200] =	vst v63  }
0x3b: {  	_ =	swait.ge [sflag:s14], $0x2000  }
0x3c: {  	s0 =	sadd.s32 $0x63200, s28;
	[sflag:s14] =	ssyncset.done $0x0  }
0x3d: {  	s28 =	sadd.s32 s0, s30;
	[sflag:s14] =	ssyncadd.s32 $0xFFFFE000  }
0x3e: {  	[hbm4b:s28+s4] =	stream.linear.scatter [tilespmem:s8], [sflag:$0x5], $0x2000, $0x38;
	[tilespmem:$0x8200] =	vst v63  }
0x3f: {  	_ =	swait.ge [sflag:s16], $0x2000  }
0x40: {  	[sflag:s16] =	ssyncset.done $0x0  }
0x41: {  	s29 =	sadd.s32 s0, s29;
	[sflag:s16] =	ssyncadd.s32 $0xFFFFE000  }
0x42: {  	[hbm4b:s29+s4] =	stream.linear.scatter [tilespmem:s9], [sflag:$0x6], $0x2000, $0x38;
	[tilespmem:$0x8200] =	vst v63  }
0x43: {  	_ =	swait.ge [sflag:s19], $0x2000  }
0x44: {  	[sflag:s19] =	ssyncset.done $0x0  }
0x45: {  	s30 =	sadd.s32 s0, s31;
	[sflag:s19] =	ssyncadd.s32 $0xFFFFE000  }
0x46: {  	[hbm4b:s30+s4] =	stream.linear.scatter [tilespmem:s11], [sflag:$0x7], $0x2000, $0x38;
	[tilespmem:$0x8200] =	vst v63  }
0x47: {  	_ =	swait.ge [sflag:s23], $0x2000  }
0x48: {  	[sflag:s23] =	ssyncset.done $0x0  }
0x49: {  	s31 =	sadd.s32 s0, s1;
	[sflag:s23] =	ssyncadd.s32 $0xFFFFE000  }
0x4a: {  	[hbm4b:s31+s4] =	stream.linear.scatter [tilespmem:s13], [sflag:$0x8], $0x2000, $0x38;
	[tilespmem:$0x8200] =	vst v63  }
0x4b: {  	_ =	swait.ge [sflag:s15], $0x2000  }
0x4c: {  	[sflag:s15] =	ssyncset.done $0x0  }
0x4d: {  	[sflag:s15] =	ssyncadd.s32 $0xFFFFE000  }
0x4e: {  	_ =	swait.ge [sflag:s17], $0x2000  }
0x4f: {  	s1 =	rddreg [dreg:$0x8]  }
0x50: {  	s0 =	ssub.s32 $0x2, s1  }
0x51: {  	s1 =	sshrl.u32 s0, $0x1  }
0x52: {  	s0 =	ssub.s32 s0, s1  }
0x53: {  	s0 =	smax.u32 s0, $0x1  }
0x54: {  	[sflag:s17] =	ssyncset.done $0x0;
	p0 =	sne.s32 s0, $0x1  }
.Ltmp0:
0x55: {  	[sflag:s17] =	ssyncadd.s32 $0xFFFFE000;
	(pc) =	sbr.rel @!p0 .LBB2_2-.Ltmp0, $4  }
0x56: {  	_ =	swait.ge [sflag:s21], $0x2000  }
0x57: {  	[sflag:s21] =	ssyncset.done $0x0  }
0x58: {  	[sflag:s21] =	ssyncadd.s32 $0xFFFFE000  }
0x59: {  	s1 =	sadd.s32 $0xFFFFFFFF, s0;
	_ =	swait.ge [sflag:s25], $0x2000  }
.LBB2_1:
0x5a: {  	[sflag:s25] =	ssyncset.done $0x0  }
0x5b: {  	s0 =	rddreg [dreg:$0x4];
	[sflag:s25] =	ssyncadd.s32 $0xFFFFE000  }
0x5c: {  	[tilespmem:s4], [sflag:$0x9] =	stream.linear.gather [hbm4b:s0+s4], $0x100, $0x38;
	[tilespmem:$0x8200] =	vst v63  }
0x5d: {  	_ =	swait.ge [sflag:s5], $0x100  }
0x5e: {  	[sflag:s5] =	ssyncset.done $0x0  }
0x5f: {  	s0 =	rddreg [dreg:$0x5];
	[sflag:s5] =	ssyncadd.s32 $0xFFFFFF00  }
0x60: {  	[tilespmem:s6], [sflag:$0x9] =	stream.linear.gather [hbm4b:s0+s4], $0x100, $0x38;
	[tilespmem:$0x8200] =	vst v63  }
0x61: {  	_ =	swait.ge [sflag:s5], $0x100  }
0x62: {  	[sflag:s5] =	ssyncset.done $0x0  }
0x63: {  	[sflag:s5] =	ssyncadd.s32 $0xFFFFFF00  }
0x64: {  	[tilespmem:s8], [sflag:$0x1] =	stream.indirect.gather [hbm4b:s2+s7], $0x80, s4, s7, $0xb8;
	[tilespmem:$0x8200] =	vst v63  }
0x65: {  	_ = 	snop  }
0x66: {  	[tilespmem:s9], [sflag:$0x2] =	stream.indirect.gather [hbm4b:s2+s7], $0x80, s7, s7, $0xb8;
	[tilespmem:$0x8200] =	vst v63  }
0x67: {  	_ = 	snop  }
0x68: {  	[tilespmem:s11], [sflag:$0x3] =	stream.indirect.gather [hbm4b:s2+s7], $0x80, s10, s7, $0xb8;
	[tilespmem:$0x8200] =	vst v63  }
0x69: {  	_ = 	snop  }
0x6a: {  	[tilespmem:s13], [sflag:$0x4] =	stream.indirect.gather [hbm4b:s2+s7], $0x80, s12, s7, $0xb8;
	[tilespmem:$0x8200] =	vst v63  }
0x6b: {  	_ =	swait.ge [sflag:s14], $0x2000  }
0x6c: {  	[sflag:s14] =	ssyncset.done $0x0  }
0x6d: {  	s0 =	rddreg [dreg:$0x6];
	[sflag:s14] =	ssyncadd.s32 $0xFFFFE000  }
0x6e: {  	[hbm4b:s0+s4] =	stream.linear.scatter [tilespmem:s8], [sflag:$0x5], $0x2000, $0x38;
	[tilespmem:$0x8200] =	vst v63  }
0x6f: {  	_ =	swait.ge [sflag:s15], $0x2000  }
0x70: {  	[sflag:s15] =	ssyncset.done $0x0  }
0x71: {  	[sflag:s15] =	ssyncadd.s32 $0xFFFFE000  }
0x72: {  	[tilespmem:s8], [sflag:$0x1] =	stream.indirect.gather [hbm4b:s3+s7], $0x80, s6, s7, $0xb8;
	[tilespmem:$0x8200] =	vst v63  }
0x73: {  	_ =	swait.ge [sflag:s16], $0x2000  }
0x74: {  	[sflag:s16] =	ssyncset.done $0x0  }
0x75: {  	s0 =	rddreg [dreg:$0x7];
	[sflag:s16] =	ssyncadd.s32 $0xFFFFE000  }
0x76: {  	[hbm4b:s0+s4] =	stream.linear.scatter [tilespmem:s9], [sflag:$0x6], $0x2000, $0x38;
	[tilespmem:$0x8200] =	vst v63  }
0x77: {  	_ =	swait.ge [sflag:s17], $0x2000  }
0x78: {  	[sflag:s17] =	ssyncset.done $0x0  }
0x79: {  	[sflag:s17] =	ssyncadd.s32 $0xFFFFE000  }
0x7a: {  	[tilespmem:s9], [sflag:$0x2] =	stream.indirect.gather [hbm4b:s3+s7], $0x80, s18, s7, $0xb8;
	[tilespmem:$0x8200] =	vst v63  }
0x7b: {  	_ =	swait.ge [sflag:s19], $0x2000  }
0x7c: {  	[sflag:s19] =	ssyncset.done $0x0  }
0x7d: {  	[sflag:s19] =	ssyncadd.s32 $0xFFFFE000  }
0x7e: {  	[hbm4b:s20+s4] =	stream.linear.scatter [tilespmem:s11], [sflag:$0x7], $0x2000, $0x38;
	[tilespmem:$0x8200] =	vst v63  }
0x7f: {  	_ =	swait.ge [sflag:s21], $0x2000  }
0x80: {  	[sflag:s21] =	ssyncset.done $0x0  }
0x81: {  	[sflag:s21] =	ssyncadd.s32 $0xFFFFE000  }
0x82: {  	[tilespmem:s11], [sflag:$0x3] =	stream.indirect.gather [hbm4b:s3+s7], $0x80, s22, s7, $0xb8;
	[tilespmem:$0x8200] =	vst v63  }
0x83: {  	_ =	swait.ge [sflag:s23], $0x2000  }
0x84: {  	[sflag:s23] =	ssyncset.done $0x0  }
0x85: {  	[sflag:s23] =	ssyncadd.s32 $0xFFFFE000  }
0x86: {  	[hbm4b:s24+s4] =	stream.linear.scatter [tilespmem:s13], [sflag:$0x8], $0x2000, $0x38;
	[tilespmem:$0x8200] =	vst v63  }
0x87: {  	_ =	swait.ge [sflag:s25], $0x2000  }
0x88: {  	[sflag:s25] =	ssyncset.done $0x0  }
0x89: {  	[sflag:s25] =	ssyncadd.s32 $0xFFFFE000  }
0x8a: {  	[tilespmem:s13], [sflag:$0x4] =	stream.indirect.gather [hbm4b:s3+s7], $0x80, s26, s7, $0xb8;
	[tilespmem:$0x8200] =	vst v63  }
0x8b: {  	_ =	swait.ge [sflag:s14], $0x2000  }
0x8c: {  	[sflag:s14] =	ssyncset.done $0x0  }
0x8d: {  	[sflag:s14] =	ssyncadd.s32 $0xFFFFE000  }
0x8e: {  	[hbm4b:s28+s4] =	stream.linear.scatter [tilespmem:s8], [sflag:$0x5], $0x2000, $0x38;
	[tilespmem:$0x8200] =	vst v63  }
0x8f: {  	_ =	swait.ge [sflag:s16], $0x2000  }
0x90: {  	[sflag:s16] =	ssyncset.done $0x0  }
0x91: {  	[sflag:s16] =	ssyncadd.s32 $0xFFFFE000  }
0x92: {  	[hbm4b:s29+s4] =	stream.linear.scatter [tilespmem:s9], [sflag:$0x6], $0x2000, $0x38;
	[tilespmem:$0x8200] =	vst v63  }
0x93: {  	_ =	swait.ge [sflag:s19], $0x2000  }
0x94: {  	[sflag:s19] =	ssyncset.done $0x0  }
0x95: {  	[sflag:s19] =	ssyncadd.s32 $0xFFFFE000  }
0x96: {  	[hbm4b:s30+s4] =	stream.linear.scatter [tilespmem:s11], [sflag:$0x7], $0x2000, $0x38;
	[tilespmem:$0x8200] =	vst v63  }
0x97: {  	_ =	swait.ge [sflag:s23], $0x2000  }
0x98: {  	[sflag:s23] =	ssyncset.done $0x0  }
0x99: {  	[sflag:s23] =	ssyncadd.s32 $0xFFFFE000  }
0x9a: {  	[hbm4b:s31+s4] =	stream.linear.scatter [tilespmem:s13], [sflag:$0x8], $0x2000, $0x38;
	[tilespmem:$0x8200] =	vst v63  }
0x9b: {  	_ =	swait.ge [sflag:s15], $0x2000  }
0x9c: {  	[sflag:s15] =	ssyncset.done $0x0  }
0x9d: {  	[sflag:s15] =	ssyncadd.s32 $0xFFFFE000  }
0x9e: {  	_ =	swait.ge [sflag:s17], $0x2000  }
0x9f: {  	p0 =	sne.s32 s1, $0x1;
	[sflag:s17] =	ssyncset.done $0x0  }
.Ltmp1:
0xa0: {  	[sflag:s17] =	ssyncadd.s32 $0xFFFFE000;
	(pc) =	sbr.rel @p0 .LBB2_1-.Ltmp1, $4  }
0xa1: {  	_ =	swait.ge [sflag:s21], $0x2000  }
0xa2: {  	[sflag:s21] =	ssyncset.done $0x0  }
0xa3: {  	[sflag:s21] =	ssyncadd.s32 $0xFFFFE000  }
0xa4: {  	s1 =	sadd.s32 $0xFFFFFFFF, s1;
	_ =	swait.ge [sflag:s25], $0x2000  }
.LBB2_2:
0xa5: {  	[sflag:s25] =	ssyncset.done $0x0  }
0xa6: {  	[sflag:s25] =	ssyncadd.s32 $0xFFFFE000  }
0xa7: {  	_ =	sfence.sel $0x180000  }
0xa8: {  	[bflag:$0x0] =	sbarrier.arrive $0xFFFF  }
0xa9: {  	_ =	strace $0x9000004A  }
0xaa: {  	s0 =	stileid.u32;
	[bflag:$0x2] =	sbarrier.arrive $0xFFFF  }
0xab: {  	p0 =	sne.s32 s0, $0x0;
	s0 =	rddreg [dreg:$0x3]  }
0xac: {  	s0 =	sadd.s32 @!p0 $0x100000, s0  }
0xad: {  	[sflag:s0] =	ssyncadd.tile.s32 @!p0 $0x1;
	_ =	shalt  }
.Lfunc_end2:
_tile_overlayer_lowered:
.L_overlay_start_2:
0xae: {  	(tag) =	ssettag $0x2  }
0xaf: {  	s0 =	rddreg [dreg:$0x0];
	s2 =	stileid.u32  }
0xb0: {  	s1 =	rddreg [dreg:$0x1];
	p0 =	sne.s32 s2, $0x0  }
0xb1: {  	s3 =	rddreg [dreg:$0x2];
	[bflag:$0x3] =	sbarrier.arrive $0xFFFF;
	s2 =	simm.s32 @!p0 $0x1C09  }
0xb2: {  	[timem:s3], [sflag:s2] =	dma.local @!p0 [hbm:s0], s1  }
0xb3: {  	s0 =	simm.s32 @!p0 $0x9  }
0xb4: {  	_ =	swait.ge @!p0 [sflag:s0], s1  }
0xb5: {  	s1 =	ssub.s32 @!p0 $0x0, s1;
	[sflag:s0] =	ssyncset.done @!p0 $0x0  }
0xb6: {  	[sflag:s0] =	ssyncadd.s32 @!p0 s1  }
0xb7: {  	[bflag:$0x3] =	sbarrier.arrive $0xFFFF  }
0xb8: {  	_ =	shalt  }

</sc_bundles>
